<compile_context>
chip_gen: v7x
topology: tpu7x:2x2x1
jax: 0.10.2.dev20260603
libtpu: 0.0.44.dev20260713+nightly
codegen_flags: <defaults>
</compile_context>

<pallas_src>
import functools

import jax
import jax.numpy as jnp
from jax import lax
from jax.experimental import pallas as pl
from jax.experimental.pallas import tpu as pltpu
from jax.experimental.pallas import tpu_sc as plsc

TAB_ROWS = 101
D = 64
DP = 128
B = 4096 * 200
IR_W = 128
NC, NS = 2, 16
NW = NC * NS
B_PER_W = B // NW
IR_PER_W = B_PER_W // IR_W
CHUNK_IR = 2
CHUNK = CHUNK_IR * IR_W
N_CHUNKS = B_PER_W // CHUNK


def _sc_gather(z2d, table):
    mesh = plsc.VectorSubcoreMesh(core_axis_name="c", subcore_axis_name="s")

    @functools.partial(
        pl.kernel,
        mesh=mesh,
        out_type=jax.ShapeDtypeStruct((B, DP), jnp.float32),
        scratch_types=[
            pltpu.VMEM_SHARED((TAB_ROWS, DP), jnp.float32),
            pltpu.VMEM((TAB_ROWS, DP), jnp.float32),
            pltpu.VMEM((IR_PER_W, IR_W), jnp.int32),
            pltpu.VMEM((2, CHUNK, DP), jnp.float32),
            pltpu.SemaphoreType.DMA,
        ],
        compiler_params=pltpu.CompilerParams(use_tc_tiling_on_sc=False),
    )
    def k(z_hbm, table_hbm, out_hbm, table_sh, table_v, idx_v, rows_v, gsem):
        sid = lax.axis_index("s")
        wid = sid * NC + lax.axis_index("c")
        ir_base = wid * IR_PER_W
        row_base = wid * B_PER_W

        @pl.when(sid == 0)
        def _():
            pltpu.sync_copy(table_hbm, table_v)
            pltpu.sync_copy(table_v, table_sh)

        pltpu.sync_copy(z_hbm.at[pl.ds(ir_base, IR_PER_W)], idx_v)
        plsc.subcore_barrier()

        def fire_gathers(c, buf):
            for j in range(CHUNK_IR):
                pltpu.async_copy(
                    table_sh.at[idx_v.at[c * CHUNK_IR + j]],
                    rows_v.at[buf].at[pl.ds(j * IR_W, IR_W)],
                    gsem,
                )

        def wait_gathers(buf):
            for j in range(CHUNK_IR):
                pltpu.make_async_copy(
                    table_sh.at[idx_v.at[j]],
                    rows_v.at[buf].at[pl.ds(j * IR_W, IR_W)],
                    gsem,
                ).wait()

        def copy_out(c, buf):
            pltpu.sync_copy(rows_v.at[buf],
                            out_hbm.at[pl.ds(row_base + c * CHUNK, CHUNK)])

        fire_gathers(0, 0)

        def body(g, carry):
            for b in range(2):
                c = 2 * g + b
                fire_gathers(c + 1, 1 - b)
                wait_gathers(b)
                copy_out(c, b)
            return carry

        lax.fori_loop(0, (N_CHUNKS - 2) // 2, body, None)

        fire_gathers(N_CHUNKS - 1, 1)
        wait_gathers(0)
        copy_out(N_CHUNKS - 2, 0)
        wait_gathers(1)
        copy_out(N_CHUNKS - 1, 1)

    return k(z2d, table)


def kernel(z, table):
    z2d = (z.astype(jnp.int32) & 127).reshape(B // IR_W, IR_W)
    table_pad = jnp.pad(table, ((0, 0), (0, DP - D)))
    out = _sc_gather(z2d, table_pad)
    return out[:, :D].reshape(z.shape[0], z.shape[1], D)

# --- scband reference (transcript-rebuilt; emitter-appended) ---
"""Pipeline reference for scband-atomic-embedding-2293512536749 (READ-ONLY COPY).

The authoritative reference and input builder live on the scoring server;
editing this copy changes nothing except your own understanding.
"""

import jax, jax.numpy as jnp
import numpy as np

MAX_Z = 100
EMBED_DIM = 64

def setup_inputs(seed: int = 0) -> dict:
    key = jax.random.key(seed)
    k1, k2 = jax.random.split(key)
    z = jax.random.randint(k1, (4096, 200), 0, MAX_Z + 1, dtype=jnp.int64)
    # nn.Embedding default init: N(0, 1)
    table = jax.random.normal(k2, (MAX_Z + 1, EMBED_DIM), dtype=jnp.float32)
    return {"z": z, "table": table}

def reference(z, table):
    # embedding lookup: gather rows of table by integer atomic number
    return jnp.take(table, z, axis=0)

if __name__ == "__main__":
    import jax
    _d = setup_inputs()
    print(jax.jit(kernel)(*tuple(_d.values())))

</pallas_src>

<mosaic_0001>
#map = affine_map<(d0, d1) -> (0, 0)>
module attributes {stable_mosaic.version = 14 : i64} {
  func.func @k(%arg0: i32, %arg1: i32, %arg2: memref<6400x128xi32, #tpu.memory_space<hbm>>, %arg3: memref<101x128xf32, #tpu.memory_space<hbm>>, %arg4: memref<819200x128xf32, #tpu.memory_space<hbm>>, %arg5: memref<101x128xf32, #tpu.memory_space<vmem_shared>>, %arg6: memref<101x128xf32, #tpu.memory_space<vmem>>, %arg7: memref<200x128xi32, #tpu.memory_space<vmem>>, %arg8: memref<2x256x128xf32, #tpu.memory_space<vmem>>, %arg9: memref<!tpu.dma_semaphore, #tpu.memory_space<semaphore_mem>>) attributes {dimension_semantics = [#tpu.dimension_semantics<core_parallel>, #tpu.dimension_semantics<subcore_parallel>], iteration_bounds = array<i64: 2, 16>, scalar_prefetch = 0 : i64, scratch_operands = 5 : i64, tpu.core_type = #tpu.core_type<sc_vector_subcore>, window_params = [{transform_indices = #map}, {transform_indices = #map}, {transform_indices = #map}]} {
    %mul3A = arith.constant 2 : i32
    %mul3A_0 = arith.muli %arg1, %mul3A : i32
    %add3A = arith.addi %mul3A_0, %arg0 : i32
    %mul3A_1 = arith.constant 200 : i32
    %mul3A_2 = arith.muli %add3A, %mul3A_1 : i32
    %mul3A_3 = arith.constant 25600 : i32
    %mul3A_4 = arith.muli %add3A, %mul3A_3 : i32
    %eq3A = arith.constant 0 : i32
    %eq3A_5 = arith.cmpi eq, %arg1, %eq3A : i32
    %convert_element_type3A = arith.extui %eq3A_5 : i1 to i32
    %cond3A = arith.constant 0 : i32
    %cond3A_6 = arith.cmpi ne, %convert_element_type3A, %cond3A : i32
    scf.if %cond3A_6 {
      "tpu.region"() ({
        %run_scoped3A_134 = tpu.sem_alloc : memref<!tpu.dma_semaphore, #tpu.memory_space<semaphore_mem>>
        tpu.enqueue_dma source(%arg3 : memref<101x128xf32, #tpu.memory_space<hbm>>) target(%arg6 : memref<101x128xf32, #tpu.memory_space<vmem>>) target_semaphore(%run_scoped3A_134 : memref<!tpu.dma_semaphore, #tpu.memory_space<semaphore_mem>>)
        tpu.wait_dma2 semaphore(%run_scoped3A_134 : memref<!tpu.dma_semaphore, #tpu.memory_space<semaphore_mem>>) src(%arg3 : memref<101x128xf32, #tpu.memory_space<hbm>>) dst(%arg6 : memref<101x128xf32, #tpu.memory_space<vmem>>)
        tpu.yield
      }) : () -> ()
      "tpu.region"() ({
        %run_scoped3A_134 = tpu.sem_alloc : memref<!tpu.dma_semaphore, #tpu.memory_space<semaphore_mem>>
        tpu.enqueue_dma source(%arg6 : memref<101x128xf32, #tpu.memory_space<vmem>>) target(%arg5 : memref<101x128xf32, #tpu.memory_space<vmem_shared>>) target_semaphore(%run_scoped3A_134 : memref<!tpu.dma_semaphore, #tpu.memory_space<semaphore_mem>>)
        tpu.wait_dma2 semaphore(%run_scoped3A_134 : memref<!tpu.dma_semaphore, #tpu.memory_space<semaphore_mem>>) src(%arg6 : memref<101x128xf32, #tpu.memory_space<vmem>>) dst(%arg5 : memref<101x128xf32, #tpu.memory_space<vmem_shared>>)
        tpu.yield
      }) : () -> ()
    } else {
    }
    "tpu.region"() ({
      %run_scoped3A_134 = tpu.sem_alloc : memref<!tpu.dma_semaphore, #tpu.memory_space<semaphore_mem>>
      %dma_start3A_135 = arith.constant 0 : i32
      %dma_start3A_136 = tpu.memref_slice %arg2[%mul3A_2, %dma_start3A_135] : memref<6400x128xi32, #tpu.memory_space<hbm>> -> memref<200x128xi32, #tpu.memory_space<hbm>>
      %dma_start3A_137 = arith.constant 0 : i32
      %dma_start3A_138 = tpu.memref_slice %arg2[%mul3A_2, %dma_start3A_137] : memref<6400x128xi32, #tpu.memory_space<hbm>> -> memref<200x128xi32, #tpu.memory_space<hbm>>
      tpu.enqueue_dma source(%dma_start3A_138 : memref<200x128xi32, #tpu.memory_space<hbm>>) target(%arg7 : memref<200x128xi32, #tpu.memory_space<vmem>>) target_semaphore(%run_scoped3A_134 : memref<!tpu.dma_semaphore, #tpu.memory_space<semaphore_mem>>)
      %dma_wait3A_139 = arith.constant 0 : i32
      %dma_wait3A_140 = tpu.memref_slice %arg2[%mul3A_2, %dma_wait3A_139] : memref<6400x128xi32, #tpu.memory_space<hbm>> -> memref<200x128xi32, #tpu.memory_space<hbm>>
      %dma_wait3A_141 = arith.constant 0 : i32
      %dma_wait3A_142 = tpu.memref_slice %arg2[%mul3A_2, %dma_wait3A_141] : memref<6400x128xi32, #tpu.memory_space<hbm>> -> memref<200x128xi32, #tpu.memory_space<hbm>>
      tpu.wait_dma2 semaphore(%run_scoped3A_134 : memref<!tpu.dma_semaphore, #tpu.memory_space<semaphore_mem>>) src(%dma_wait3A_142 : memref<200x128xi32, #tpu.memory_space<hbm>>) dst(%arg7 : memref<200x128xi32, #tpu.memory_space<vmem>>)
      tpu.yield
    }) : () -> ()
    %barrier3A = arith.constant 0 : index
    tpu.barrier barrier_id(%barrier3A)
    %dma_start3A = arith.constant 0 : i32
    %dma_start3A_7 = arith.constant 0 : i32
    %dma_start3A_8 = arith.constant 0 : i32
    %dma_start3A_9 = arith.constant 0 : i32
    %dma_start3A_10 = tpu.memref_slice %arg8[%dma_start3A_7, %dma_start3A_8, %dma_start3A_9] : memref<2x256x128xf32, #tpu.memory_space<vmem>> -> memref<1x256x128xf32, #tpu.memory_space<vmem>>
    %dma_start3A_11 = tpu.memref_squeeze %dma_start3A_10 : memref<1x256x128xf32, #tpu.memory_space<vmem>> -> memref<256x128xf32, #tpu.memory_space<vmem>>
    %dma_start3A_12 = arith.constant 0 : i32
    %dma_start3A_13 = arith.constant 0 : i32
    %dma_start3A_14 = tpu.memref_slice %dma_start3A_11[%dma_start3A_12, %dma_start3A_13] : memref<256x128xf32, #tpu.memory_space<vmem>> -> memref<128x128xf32, #tpu.memory_space<vmem>>
    %dma_start3A_15 = arith.constant 0 : i32
    %dma_start3A_16 = tpu.memref_slice %arg7[%dma_start3A, %dma_start3A_15] : memref<200x128xi32, #tpu.memory_space<vmem>> -> memref<1x128xi32, #tpu.memory_space<vmem>>
    %dma_start3A_17 = tpu.memref_squeeze %dma_start3A_16 : memref<1x128xi32, #tpu.memory_space<vmem>> -> memref<128xi32, #tpu.memory_space<vmem>>
    %dma_start3A_18 = arith.constant 0 : i32
    %dma_start3A_19 = arith.constant 0 : i32
    %dma_start3A_20 = tpu.memref_slice %arg5[%dma_start3A_18, %dma_start3A_19] : memref<101x128xf32, #tpu.memory_space<vmem_shared>> -> memref<101x128xf32, #tpu.memory_space<vmem_shared>>
    tpu.enqueue_indirect_dma source(%dma_start3A_20 : memref<101x128xf32, #tpu.memory_space<vmem_shared>>) target(%dma_start3A_14 : memref<128x128xf32, #tpu.memory_space<vmem>>) offsets(%dma_start3A_17 : memref<128xi32, #tpu.memory_space<vmem>>) semaphore(%arg9 : memref<!tpu.dma_semaphore, #tpu.memory_space<semaphore_mem>>)
    %dma_start3A_21 = arith.constant 1 : i32
    %dma_start3A_22 = arith.constant 0 : i32
    %dma_start3A_23 = arith.constant 0 : i32
    %dma_start3A_24 = arith.constant 0 : i32
    %dma_start3A_25 = tpu.memref_slice %arg8[%dma_start3A_22, %dma_start3A_23, %dma_start3A_24] : memref<2x256x128xf32, #tpu.memory_space<vmem>> -> memref<1x256x128xf32, #tpu.memory_space<vmem>>
    %dma_start3A_26 = tpu.memref_squeeze %dma_start3A_25 : memref<1x256x128xf32, #tpu.memory_space<vmem>> -> memref<256x128xf32, #tpu.memory_space<vmem>>
    %dma_start3A_27 = arith.constant 128 : i32
    %dma_start3A_28 = arith.constant 0 : i32
    %dma_start3A_29 = tpu.memref_slice %dma_start3A_26[%dma_start3A_27, %dma_start3A_28] : memref<256x128xf32, #tpu.memory_space<vmem>> -> memref<128x128xf32, #tpu.memory_space<vmem>>
    %dma_start3A_30 = arith.constant 0 : i32
    %dma_start3A_31 = tpu.memref_slice %arg7[%dma_start3A_21, %dma_start3A_30] : memref<200x128xi32, #tpu.memory_space<vmem>> -> memref<1x128xi32, #tpu.memory_space<vmem>>
    %dma_start3A_32 = tpu.memref_squeeze %dma_start3A_31 : memref<1x128xi32, #tpu.memory_space<vmem>> -> memref<128xi32, #tpu.memory_space<vmem>>
    %dma_start3A_33 = arith.constant 0 : i32
    %dma_start3A_34 = arith.constant 0 : i32
    %dma_start3A_35 = tpu.memref_slice %arg5[%dma_start3A_33, %dma_start3A_34] : memref<101x128xf32, #tpu.memory_space<vmem_shared>> -> memref<101x128xf32, #tpu.memory_space<vmem_shared>>
    tpu.enqueue_indirect_dma source(%dma_start3A_35 : memref<101x128xf32, #tpu.memory_space<vmem_shared>>) target(%dma_start3A_29 : memref<128x128xf32, #tpu.memory_space<vmem>>) offsets(%dma_start3A_32 : memref<128xi32, #tpu.memory_space<vmem>>) semaphore(%arg9 : memref<!tpu.dma_semaphore, #tpu.memory_space<semaphore_mem>>)
    %scan3A = arith.constant 0 : i32
    %scan3A_36 = arith.constant 49 : i32
    %scan3A_37 = arith.addi %scan3A, %scan3A_36 : i32
    %scan3A_38 = arith.constant 1 : i32
    scf.for %scan3A_134 = %scan3A to %scan3A_37 step %scan3A_38  : i32 {
      %mul3A_135 = arith.constant 2 : i32
      %mul3A_136 = arith.muli %mul3A_135, %scan3A_134 : i32
      %add3A_137 = arith.constant 0 : i32
      %add3A_138 = arith.addi %mul3A_136, %add3A_137 : i32
      %add3A_139 = arith.constant 1 : i32
      %add3A_140 = arith.addi %add3A_138, %add3A_139 : i32
      %mul3A_141 = arith.constant 2 : i32
      %mul3A_142 = arith.muli %add3A_140, %mul3A_141 : i32
      %add3A_143 = arith.constant 0 : i32
      %add3A_144 = arith.addi %mul3A_142, %add3A_143 : i32
      %dma_start3A_145 = arith.constant 1 : i32
      %dma_start3A_146 = arith.constant 0 : i32
      %dma_start3A_147 = arith.constant 0 : i32
      %dma_start3A_148 = tpu.memref_slice %arg8[%dma_start3A_145, %dma_start3A_146, %dma_start3A_147] : memref<2x256x128xf32, #tpu.memory_space<vmem>> -> memref<1x256x128xf32, #tpu.memory_space<vmem>>
      %dma_start3A_149 = tpu.memref_squeeze %dma_start3A_148 : memref<1x256x128xf32, #tpu.memory_space<vmem>> -> memref<256x128xf32, #tpu.memory_space<vmem>>
      %dma_start3A_150 = arith.constant 0 : i32
      %dma_start3A_151 = arith.constant 0 : i32
      %dma_start3A_152 = tpu.memref_slice %dma_start3A_149[%dma_start3A_150, %dma_start3A_151] : memref<256x128xf32, #tpu.memory_space<vmem>> -> memref<128x128xf32, #tpu.memory_space<vmem>>
      %dma_start3A_153 = arith.constant 0 : i32
      %dma_start3A_154 = tpu.memref_slice %arg7[%add3A_144, %dma_start3A_153] : memref<200x128xi32, #tpu.memory_space<vmem>> -> memref<1x128xi32, #tpu.memory_space<vmem>>
      %dma_start3A_155 = tpu.memref_squeeze %dma_start3A_154 : memref<1x128xi32, #tpu.memory_space<vmem>> -> memref<128xi32, #tpu.memory_space<vmem>>
      %dma_start3A_156 = arith.constant 0 : i32
      %dma_start3A_157 = arith.constant 0 : i32
      %dma_start3A_158 = tpu.memref_slice %arg5[%dma_start3A_156, %dma_start3A_157] : memref<101x128xf32, #tpu.memory_space<vmem_shared>> -> memref<101x128xf32, #tpu.memory_space<vmem_shared>>
      tpu.enqueue_indirect_dma source(%dma_start3A_158 : memref<101x128xf32, #tpu.memory_space<vmem_shared>>) target(%dma_start3A_152 : memref<128x128xf32, #tpu.memory_space<vmem>>) offsets(%dma_start3A_155 : memref<128xi32, #tpu.memory_space<vmem>>) semaphore(%arg9 : memref<!tpu.dma_semaphore, #tpu.memory_space<semaphore_mem>>)
      %mul3A_159 = arith.constant 2 : i32
      %mul3A_160 = arith.muli %add3A_140, %mul3A_159 : i32
      %add3A_161 = arith.constant 1 : i32
      %add3A_162 = arith.addi %mul3A_160, %add3A_161 : i32
      %dma_start3A_163 = arith.constant 1 : i32
      %dma_start3A_164 = arith.constant 0 : i32
      %dma_start3A_165 = arith.constant 0 : i32
      %dma_start3A_166 = tpu.memref_slice %arg8[%dma_start3A_163, %dma_start3A_164, %dma_start3A_165] : memref<2x256x128xf32, #tpu.memory_space<vmem>> -> memref<1x256x128xf32, #tpu.memory_space<vmem>>
      %dma_start3A_167 = tpu.memref_squeeze %dma_start3A_166 : memref<1x256x128xf32, #tpu.memory_space<vmem>> -> memref<256x128xf32, #tpu.memory_space<vmem>>
      %dma_start3A_168 = arith.constant 128 : i32
      %dma_start3A_169 = arith.constant 0 : i32
      %dma_start3A_170 = tpu.memref_slice %dma_start3A_167[%dma_start3A_168, %dma_start3A_169] : memref<256x128xf32, #tpu.memory_space<vmem>> -> memref<128x128xf32, #tpu.memory_space<vmem>>
      %dma_start3A_171 = arith.constant 0 : i32
      %dma_start3A_172 = tpu.memref_slice %arg7[%add3A_162, %dma_start3A_171] : memref<200x128xi32, #tpu.memory_space<vmem>> -> memref<1x128xi32, #tpu.memory_space<vmem>>
      %dma_start3A_173 = tpu.memref_squeeze %dma_start3A_172 : memref<1x128xi32, #tpu.memory_space<vmem>> -> memref<128xi32, #tpu.memory_space<vmem>>
      %dma_start3A_174 = arith.constant 0 : i32
      %dma_start3A_175 = arith.constant 0 : i32
      %dma_start3A_176 = tpu.memref_slice %arg5[%dma_start3A_174, %dma_start3A_175] : memref<101x128xf32, #tpu.memory_space<vmem_shared>> -> memref<101x128xf32, #tpu.memory_space<vmem_shared>>
      tpu.enqueue_indirect_dma source(%dma_start3A_176 : memref<101x128xf32, #tpu.memory_space<vmem_shared>>) target(%dma_start3A_170 : memref<128x128xf32, #tpu.memory_space<vmem>>) offsets(%dma_start3A_173 : memref<128xi32, #tpu.memory_space<vmem>>) semaphore(%arg9 : memref<!tpu.dma_semaphore, #tpu.memory_space<semaphore_mem>>)
      %dma_wait3A_177 = arith.constant 0 : i32
      %dma_wait3A_178 = arith.constant 0 : i32
      %dma_wait3A_179 = arith.constant 0 : i32
      %dma_wait3A_180 = arith.constant 0 : i32
      %dma_wait3A_181 = tpu.memref_slice %arg8[%dma_wait3A_178, %dma_wait3A_179, %dma_wait3A_180] : memref<2x256x128xf32, #tpu.memory_space<vmem>> -> memref<1x256x128xf32, #tpu.memory_space<vmem>>
      %dma_wait3A_182 = tpu.memref_squeeze %dma_wait3A_181 : memref<1x256x128xf32, #tpu.memory_space<vmem>> -> memref<256x128xf32, #tpu.memory_space<vmem>>
      %dma_wait3A_183 = arith.constant 0 : i32
      %dma_wait3A_184 = arith.constant 0 : i32
      %dma_wait3A_185 = tpu.memref_slice %dma_wait3A_182[%dma_wait3A_183, %dma_wait3A_184] : memref<256x128xf32, #tpu.memory_space<vmem>> -> memref<128x128xf32, #tpu.memory_space<vmem>>
      %dma_wait3A_186 = arith.constant 0 : i32
      %dma_wait3A_187 = tpu.memref_slice %arg7[%dma_wait3A_177, %dma_wait3A_186] : memref<200x128xi32, #tpu.memory_space<vmem>> -> memref<1x128xi32, #tpu.memory_space<vmem>>
      %dma_wait3A_188 = tpu.memref_squeeze %dma_wait3A_187 : memref<1x128xi32, #tpu.memory_space<vmem>> -> memref<128xi32, #tpu.memory_space<vmem>>
      %dma_wait3A_189 = arith.constant 0 : i32
      %dma_wait3A_190 = arith.constant 0 : i32
      %dma_wait3A_191 = tpu.memref_slice %arg5[%dma_wait3A_189, %dma_wait3A_190] : memref<101x128xf32, #tpu.memory_space<vmem_shared>> -> memref<101x128xf32, #tpu.memory_space<vmem_shared>>
      tpu.wait_indirect_dma semaphore(%arg9 : memref<!tpu.dma_semaphore, #tpu.memory_space<semaphore_mem>>) src(%dma_wait3A_191 : memref<101x128xf32, #tpu.memory_space<vmem_shared>>) dst(%dma_wait3A_185 : memref<128x128xf32, #tpu.memory_space<vmem>>)
      %dma_wait3A_192 = arith.constant 1 : i32
      %dma_wait3A_193 = arith.constant 0 : i32
      %dma_wait3A_194 = arith.constant 0 : i32
      %dma_wait3A_195 = arith.constant 0 : i32
      %dma_wait3A_196 = tpu.memref_slice %arg8[%dma_wait3A_193, %dma_wait3A_194, %dma_wait3A_195] : memref<2x256x128xf32, #tpu.memory_space<vmem>> -> memref<1x256x128xf32, #tpu.memory_space<vmem>>
      %dma_wait3A_197 = tpu.memref_squeeze %dma_wait3A_196 : memref<1x256x128xf32, #tpu.memory_space<vmem>> -> memref<256x128xf32, #tpu.memory_space<vmem>>
      %dma_wait3A_198 = arith.constant 128 : i32
      %dma_wait3A_199 = arith.constant 0 : i32
      %dma_wait3A_200 = tpu.memref_slice %dma_wait3A_197[%dma_wait3A_198, %dma_wait3A_199] : memref<256x128xf32, #tpu.memory_space<vmem>> -> memref<128x128xf32, #tpu.memory_space<vmem>>
      %dma_wait3A_201 = arith.constant 0 : i32
      %dma_wait3A_202 = tpu.memref_slice %arg7[%dma_wait3A_192, %dma_wait3A_201] : memref<200x128xi32, #tpu.memory_space<vmem>> -> memref<1x128xi32, #tpu.memory_space<vmem>>
      %dma_wait3A_203 = tpu.memref_squeeze %dma_wait3A_202 : memref<1x128xi32, #tpu.memory_space<vmem>> -> memref<128xi32, #tpu.memory_space<vmem>>
      %dma_wait3A_204 = arith.constant 0 : i32
      %dma_wait3A_205 = arith.constant 0 : i32
      %dma_wait3A_206 = tpu.memref_slice %arg5[%dma_wait3A_204, %dma_wait3A_205] : memref<101x128xf32, #tpu.memory_space<vmem_shared>> -> memref<101x128xf32, #tpu.memory_space<vmem_shared>>
      tpu.wait_indirect_dma semaphore(%arg9 : memref<!tpu.dma_semaphore, #tpu.memory_space<semaphore_mem>>) src(%dma_wait3A_206 : memref<101x128xf32, #tpu.memory_space<vmem_shared>>) dst(%dma_wait3A_200 : memref<128x128xf32, #tpu.memory_space<vmem>>)
      %mul3A_207 = arith.constant 256 : i32
      %mul3A_208 = arith.muli %add3A_138, %mul3A_207 : i32
      %add3A_209 = arith.addi %mul3A_4, %mul3A_208 : i32
      %run_scoped3A_210 = arith.constant 0 : i32
      "tpu.region"() ({
        %run_scoped3A_287 = tpu.sem_alloc : memref<!tpu.dma_semaphore, #tpu.memory_space<semaphore_mem>>
        %dma_start3A_288 = arith.constant 0 : i32
        %dma_start3A_289 = arith.constant 0 : i32
        %dma_start3A_290 = tpu.memref_slice %arg8[%run_scoped3A_210, %dma_start3A_288, %dma_start3A_289] : memref<2x256x128xf32, #tpu.memory_space<vmem>> -> memref<1x256x128xf32, #tpu.memory_space<vmem>>
        %dma_start3A_291 = tpu.memref_squeeze %dma_start3A_290 : memref<1x256x128xf32, #tpu.memory_space<vmem>> -> memref<256x128xf32, #tpu.memory_space<vmem>>
        %dma_start3A_292 = arith.constant 0 : i32
        %dma_start3A_293 = tpu.memref_slice %arg4[%add3A_209, %dma_start3A_292] : memref<819200x128xf32, #tpu.memory_space<hbm>> -> memref<256x128xf32, #tpu.memory_space<hbm>>
        %dma_start3A_294 = arith.constant 0 : i32
        %dma_start3A_295 = tpu.memref_slice %arg4[%add3A_209, %dma_start3A_294] : memref<819200x128xf32, #tpu.memory_space<hbm>> -> memref<256x128xf32, #tpu.memory_space<hbm>>
        %dma_start3A_296 = arith.constant 0 : i32
        %dma_start3A_297 = arith.constant 0 : i32
        %dma_start3A_298 = tpu.memref_slice %arg8[%run_scoped3A_210, %dma_start3A_296, %dma_start3A_297] : memref<2x256x128xf32, #tpu.memory_space<vmem>> -> memref<1x256x128xf32, #tpu.memory_space<vmem>>
        %dma_start3A_299 = tpu.memref_squeeze %dma_start3A_298 : memref<1x256x128xf32, #tpu.memory_space<vmem>> -> memref<256x128xf32, #tpu.memory_space<vmem>>
        tpu.enqueue_dma source(%dma_start3A_299 : memref<256x128xf32, #tpu.memory_space<vmem>>) target(%dma_start3A_295 : memref<256x128xf32, #tpu.memory_space<hbm>>) target_semaphore(%run_scoped3A_287 : memref<!tpu.dma_semaphore, #tpu.memory_space<semaphore_mem>>)
        %dma_wait3A_300 = arith.constant 0 : i32
        %dma_wait3A_301 = arith.constant 0 : i32
        %dma_wait3A_302 = tpu.memref_slice %arg8[%run_scoped3A_210, %dma_wait3A_300, %dma_wait3A_301] : memref<2x256x128xf32, #tpu.memory_space<vmem>> -> memref<1x256x128xf32, #tpu.memory_space<vmem>>
        %dma_wait3A_303 = tpu.memref_squeeze %dma_wait3A_302 : memref<1x256x128xf32, #tpu.memory_space<vmem>> -> memref<256x128xf32, #tpu.memory_space<vmem>>
        %dma_wait3A_304 = arith.constant 0 : i32
        %dma_wait3A_305 = tpu.memref_slice %arg4[%add3A_209, %dma_wait3A_304] : memref<819200x128xf32, #tpu.memory_space<hbm>> -> memref<256x128xf32, #tpu.memory_space<hbm>>
        %dma_wait3A_306 = arith.constant 0 : i32
        %dma_wait3A_307 = tpu.memref_slice %arg4[%add3A_209, %dma_wait3A_306] : memref<819200x128xf32, #tpu.memory_space<hbm>> -> memref<256x128xf32, #tpu.memory_space<hbm>>
        %dma_wait3A_308 = arith.constant 0 : i32
        %dma_wait3A_309 = arith.constant 0 : i32
        %dma_wait3A_310 = tpu.memref_slice %arg8[%run_scoped3A_210, %dma_wait3A_308, %dma_wait3A_309] : memref<2x256x128xf32, #tpu.memory_space<vmem>> -> memref<1x256x128xf32, #tpu.memory_space<vmem>>
        %dma_wait3A_311 = tpu.memref_squeeze %dma_wait3A_310 : memref<1x256x128xf32, #tpu.memory_space<vmem>> -> memref<256x128xf32, #tpu.memory_space<vmem>>
        tpu.wait_dma2 semaphore(%run_scoped3A_287 : memref<!tpu.dma_semaphore, #tpu.memory_space<semaphore_mem>>) src(%dma_wait3A_311 : memref<256x128xf32, #tpu.memory_space<vmem>>) dst(%dma_wait3A_307 : memref<256x128xf32, #tpu.memory_space<hbm>>)
        tpu.yield
      }) : () -> ()
      %mul3A_211 = arith.constant 2 : i32
      %mul3A_212 = arith.muli %mul3A_211, %scan3A_134 : i32
      %add3A_213 = arith.constant 1 : i32
      %add3A_214 = arith.addi %mul3A_212, %add3A_213 : i32
      %add3A_215 = arith.constant 1 : i32
      %add3A_216 = arith.addi %add3A_214, %add3A_215 : i32
      %mul3A_217 = arith.constant 2 : i32
      %mul3A_218 = arith.muli %add3A_216, %mul3A_217 : i32
      %add3A_219 = arith.constant 0 : i32
      %add3A_220 = arith.addi %mul3A_218, %add3A_219 : i32
      %dma_start3A_221 = arith.constant 0 : i32
      %dma_start3A_222 = arith.constant 0 : i32
      %dma_start3A_223 = arith.constant 0 : i32
      %dma_start3A_224 = tpu.memref_slice %arg8[%dma_start3A_221, %dma_start3A_222, %dma_start3A_223] : memref<2x256x128xf32, #tpu.memory_space<vmem>> -> memref<1x256x128xf32, #tpu.memory_space<vmem>>
      %dma_start3A_225 = tpu.memref_squeeze %dma_start3A_224 : memref<1x256x128xf32, #tpu.memory_space<vmem>> -> memref<256x128xf32, #tpu.memory_space<vmem>>
      %dma_start3A_226 = arith.constant 0 : i32
      %dma_start3A_227 = arith.constant 0 : i32
      %dma_start3A_228 = tpu.memref_slice %dma_start3A_225[%dma_start3A_226, %dma_start3A_227] : memref<256x128xf32, #tpu.memory_space<vmem>> -> memref<128x128xf32, #tpu.memory_space<vmem>>
      %dma_start3A_229 = arith.constant 0 : i32
      %dma_start3A_230 = tpu.memref_slice %arg7[%add3A_220, %dma_start3A_229] : memref<200x128xi32, #tpu.memory_space<vmem>> -> memref<1x128xi32, #tpu.memory_space<vmem>>
      %dma_start3A_231 = tpu.memref_squeeze %dma_start3A_230 : memref<1x128xi32, #tpu.memory_space<vmem>> -> memref<128xi32, #tpu.memory_space<vmem>>
      %dma_start3A_232 = arith.constant 0 : i32
      %dma_start3A_233 = arith.constant 0 : i32
      %dma_start3A_234 = tpu.memref_slice %arg5[%dma_start3A_232, %dma_start3A_233] : memref<101x128xf32, #tpu.memory_space<vmem_shared>> -> memref<101x128xf32, #tpu.memory_space<vmem_shared>>
      tpu.enqueue_indirect_dma source(%dma_start3A_234 : memref<101x128xf32, #tpu.memory_space<vmem_shared>>) target(%dma_start3A_228 : memref<128x128xf32, #tpu.memory_space<vmem>>) offsets(%dma_start3A_231 : memref<128xi32, #tpu.memory_space<vmem>>) semaphore(%arg9 : memref<!tpu.dma_semaphore, #tpu.memory_space<semaphore_mem>>)
      %mul3A_235 = arith.constant 2 : i32
      %mul3A_236 = arith.muli %add3A_216, %mul3A_235 : i32
      %add3A_237 = arith.constant 1 : i32
      %add3A_238 = arith.addi %mul3A_236, %add3A_237 : i32
      %dma_start3A_239 = arith.constant 0 : i32
      %dma_start3A_240 = arith.constant 0 : i32
      %dma_start3A_241 = arith.constant 0 : i32
      %dma_start3A_242 = tpu.memref_slice %arg8[%dma_start3A_239, %dma_start3A_240, %dma_start3A_241] : memref<2x256x128xf32, #tpu.memory_space<vmem>> -> memref<1x256x128xf32, #tpu.memory_space<vmem>>
      %dma_start3A_243 = tpu.memref_squeeze %dma_start3A_242 : memref<1x256x128xf32, #tpu.memory_space<vmem>> -> memref<256x128xf32, #tpu.memory_space<vmem>>
      %dma_start3A_244 = arith.constant 128 : i32
      %dma_start3A_245 = arith.constant 0 : i32
      %dma_start3A_246 = tpu.memref_slice %dma_start3A_243[%dma_start3A_244, %dma_start3A_245] : memref<256x128xf32, #tpu.memory_space<vmem>> -> memref<128x128xf32, #tpu.memory_space<vmem>>
      %dma_start3A_247 = arith.constant 0 : i32
      %dma_start3A_248 = tpu.memref_slice %arg7[%add3A_238, %dma_start3A_247] : memref<200x128xi32, #tpu.memory_space<vmem>> -> memref<1x128xi32, #tpu.memory_space<vmem>>
      %dma_start3A_249 = tpu.memref_squeeze %dma_start3A_248 : memref<1x128xi32, #tpu.memory_space<vmem>> -> memref<128xi32, #tpu.memory_space<vmem>>
      %dma_start3A_250 = arith.constant 0 : i32
      %dma_start3A_251 = arith.constant 0 : i32
      %dma_start3A_252 = tpu.memref_slice %arg5[%dma_start3A_250, %dma_start3A_251] : memref<101x128xf32, #tpu.memory_space<vmem_shared>> -> memref<101x128xf32, #tpu.memory_space<vmem_shared>>
      tpu.enqueue_indirect_dma source(%dma_start3A_252 : memref<101x128xf32, #tpu.memory_space<vmem_shared>>) target(%dma_start3A_246 : memref<128x128xf32, #tpu.memory_space<vmem>>) offsets(%dma_start3A_249 : memref<128xi32, #tpu.memory_space<vmem>>) semaphore(%arg9 : memref<!tpu.dma_semaphore, #tpu.memory_space<semaphore_mem>>)
      %dma_wait3A_253 = arith.constant 0 : i32
      %dma_wait3A_254 = arith.constant 1 : i32
      %dma_wait3A_255 = arith.constant 0 : i32
      %dma_wait3A_256 = arith.constant 0 : i32
      %dma_wait3A_257 = tpu.memref_slice %arg8[%dma_wait3A_254, %dma_wait3A_255, %dma_wait3A_256] : memref<2x256x128xf32, #tpu.memory_space<vmem>> -> memref<1x256x128xf32, #tpu.memory_space<vmem>>
      %dma_wait3A_258 = tpu.memref_squeeze %dma_wait3A_257 : memref<1x256x128xf32, #tpu.memory_space<vmem>> -> memref<256x128xf32, #tpu.memory_space<vmem>>
      %dma_wait3A_259 = arith.constant 0 : i32
      %dma_wait3A_260 = arith.constant 0 : i32
      %dma_wait3A_261 = tpu.memref_slice %dma_wait3A_258[%dma_wait3A_259, %dma_wait3A_260] : memref<256x128xf32, #tpu.memory_space<vmem>> -> memref<128x128xf32, #tpu.memory_space<vmem>>
      %dma_wait3A_262 = arith.constant 0 : i32
      %dma_wait3A_263 = tpu.memref_slice %arg7[%dma_wait3A_253, %dma_wait3A_262] : memref<200x128xi32, #tpu.memory_space<vmem>> -> memref<1x128xi32, #tpu.memory_space<vmem>>
      %dma_wait3A_264 = tpu.memref_squeeze %dma_wait3A_263 : memref<1x128xi32, #tpu.memory_space<vmem>> -> memref<128xi32, #tpu.memory_space<vmem>>
      %dma_wait3A_265 = arith.constant 0 : i32
      %dma_wait3A_266 = arith.constant 0 : i32
      %dma_wait3A_267 = tpu.memref_slice %arg5[%dma_wait3A_265, %dma_wait3A_266] : memref<101x128xf32, #tpu.memory_space<vmem_shared>> -> memref<101x128xf32, #tpu.memory_space<vmem_shared>>
      tpu.wait_indirect_dma semaphore(%arg9 : memref<!tpu.dma_semaphore, #tpu.memory_space<semaphore_mem>>) src(%dma_wait3A_267 : memref<101x128xf32, #tpu.memory_space<vmem_shared>>) dst(%dma_wait3A_261 : memref<128x128xf32, #tpu.memory_space<vmem>>)
      %dma_wait3A_268 = arith.constant 1 : i32
      %dma_wait3A_269 = arith.constant 1 : i32
      %dma_wait3A_270 = arith.constant 0 : i32
      %dma_wait3A_271 = arith.constant 0 : i32
      %dma_wait3A_272 = tpu.memref_slice %arg8[%dma_wait3A_269, %dma_wait3A_270, %dma_wait3A_271] : memref<2x256x128xf32, #tpu.memory_space<vmem>> -> memref<1x256x128xf32, #tpu.memory_space<vmem>>
      %dma_wait3A_273 = tpu.memref_squeeze %dma_wait3A_272 : memref<1x256x128xf32, #tpu.memory_space<vmem>> -> memref<256x128xf32, #tpu.memory_space<vmem>>
      %dma_wait3A_274 = arith.constant 128 : i32
      %dma_wait3A_275 = arith.constant 0 : i32
      %dma_wait3A_276 = tpu.memref_slice %dma_wait3A_273[%dma_wait3A_274, %dma_wait3A_275] : memref<256x128xf32, #tpu.memory_space<vmem>> -> memref<128x128xf32, #tpu.memory_space<vmem>>
      %dma_wait3A_277 = arith.constant 0 : i32
      %dma_wait3A_278 = tpu.memref_slice %arg7[%dma_wait3A_268, %dma_wait3A_277] : memref<200x128xi32, #tpu.memory_space<vmem>> -> memref<1x128xi32, #tpu.memory_space<vmem>>
      %dma_wait3A_279 = tpu.memref_squeeze %dma_wait3A_278 : memref<1x128xi32, #tpu.memory_space<vmem>> -> memref<128xi32, #tpu.memory_space<vmem>>
      %dma_wait3A_280 = arith.constant 0 : i32
      %dma_wait3A_281 = arith.constant 0 : i32
      %dma_wait3A_282 = tpu.memref_slice %arg5[%dma_wait3A_280, %dma_wait3A_281] : memref<101x128xf32, #tpu.memory_space<vmem_shared>> -> memref<101x128xf32, #tpu.memory_space<vmem_shared>>
      tpu.wait_indirect_dma semaphore(%arg9 : memref<!tpu.dma_semaphore, #tpu.memory_space<semaphore_mem>>) src(%dma_wait3A_282 : memref<101x128xf32, #tpu.memory_space<vmem_shared>>) dst(%dma_wait3A_276 : memref<128x128xf32, #tpu.memory_space<vmem>>)
      %mul3A_283 = arith.constant 256 : i32
      %mul3A_284 = arith.muli %add3A_214, %mul3A_283 : i32
      %add3A_285 = arith.addi %mul3A_4, %mul3A_284 : i32
      %run_scoped3A_286 = arith.constant 1 : i32
      "tpu.region"() ({
        %run_scoped3A_287 = tpu.sem_alloc : memref<!tpu.dma_semaphore, #tpu.memory_space<semaphore_mem>>
        %dma_start3A_288 = arith.constant 0 : i32
        %dma_start3A_289 = arith.constant 0 : i32
        %dma_start3A_290 = tpu.memref_slice %arg8[%run_scoped3A_286, %dma_start3A_288, %dma_start3A_289] : memref<2x256x128xf32, #tpu.memory_space<vmem>> -> memref<1x256x128xf32, #tpu.memory_space<vmem>>
        %dma_start3A_291 = tpu.memref_squeeze %dma_start3A_290 : memref<1x256x128xf32, #tpu.memory_space<vmem>> -> memref<256x128xf32, #tpu.memory_space<vmem>>
        %dma_start3A_292 = arith.constant 0 : i32
        %dma_start3A_293 = tpu.memref_slice %arg4[%add3A_285, %dma_start3A_292] : memref<819200x128xf32, #tpu.memory_space<hbm>> -> memref<256x128xf32, #tpu.memory_space<hbm>>
        %dma_start3A_294 = arith.constant 0 : i32
        %dma_start3A_295 = tpu.memref_slice %arg4[%add3A_285, %dma_start3A_294] : memref<819200x128xf32, #tpu.memory_space<hbm>> -> memref<256x128xf32, #tpu.memory_space<hbm>>
        %dma_start3A_296 = arith.constant 0 : i32
        %dma_start3A_297 = arith.constant 0 : i32
        %dma_start3A_298 = tpu.memref_slice %arg8[%run_scoped3A_286, %dma_start3A_296, %dma_start3A_297] : memref<2x256x128xf32, #tpu.memory_space<vmem>> -> memref<1x256x128xf32, #tpu.memory_space<vmem>>
        %dma_start3A_299 = tpu.memref_squeeze %dma_start3A_298 : memref<1x256x128xf32, #tpu.memory_space<vmem>> -> memref<256x128xf32, #tpu.memory_space<vmem>>
        tpu.enqueue_dma source(%dma_start3A_299 : memref<256x128xf32, #tpu.memory_space<vmem>>) target(%dma_start3A_295 : memref<256x128xf32, #tpu.memory_space<hbm>>) target_semaphore(%run_scoped3A_287 : memref<!tpu.dma_semaphore, #tpu.memory_space<semaphore_mem>>)
        %dma_wait3A_300 = arith.constant 0 : i32
        %dma_wait3A_301 = arith.constant 0 : i32
        %dma_wait3A_302 = tpu.memref_slice %arg8[%run_scoped3A_286, %dma_wait3A_300, %dma_wait3A_301] : memref<2x256x128xf32, #tpu.memory_space<vmem>> -> memref<1x256x128xf32, #tpu.memory_space<vmem>>
        %dma_wait3A_303 = tpu.memref_squeeze %dma_wait3A_302 : memref<1x256x128xf32, #tpu.memory_space<vmem>> -> memref<256x128xf32, #tpu.memory_space<vmem>>
        %dma_wait3A_304 = arith.constant 0 : i32
        %dma_wait3A_305 = tpu.memref_slice %arg4[%add3A_285, %dma_wait3A_304] : memref<819200x128xf32, #tpu.memory_space<hbm>> -> memref<256x128xf32, #tpu.memory_space<hbm>>
        %dma_wait3A_306 = arith.constant 0 : i32
        %dma_wait3A_307 = tpu.memref_slice %arg4[%add3A_285, %dma_wait3A_306] : memref<819200x128xf32, #tpu.memory_space<hbm>> -> memref<256x128xf32, #tpu.memory_space<hbm>>
        %dma_wait3A_308 = arith.constant 0 : i32
        %dma_wait3A_309 = arith.constant 0 : i32
        %dma_wait3A_310 = tpu.memref_slice %arg8[%run_scoped3A_286, %dma_wait3A_308, %dma_wait3A_309] : memref<2x256x128xf32, #tpu.memory_space<vmem>> -> memref<1x256x128xf32, #tpu.memory_space<vmem>>
        %dma_wait3A_311 = tpu.memref_squeeze %dma_wait3A_310 : memref<1x256x128xf32, #tpu.memory_space<vmem>> -> memref<256x128xf32, #tpu.memory_space<vmem>>
        tpu.wait_dma2 semaphore(%run_scoped3A_287 : memref<!tpu.dma_semaphore, #tpu.memory_space<semaphore_mem>>) src(%dma_wait3A_311 : memref<256x128xf32, #tpu.memory_space<vmem>>) dst(%dma_wait3A_307 : memref<256x128xf32, #tpu.memory_space<hbm>>)
        tpu.yield
      }) : () -> ()
    }
    %scan3A_39 = arith.constant 49 : i32
    %dma_start3A_40 = arith.constant 198 : i32
    %dma_start3A_41 = arith.constant 1 : i32
    %dma_start3A_42 = arith.constant 0 : i32
    %dma_start3A_43 = arith.constant 0 : i32
    %dma_start3A_44 = tpu.memref_slice %arg8[%dma_start3A_41, %dma_start3A_42, %dma_start3A_43] : memref<2x256x128xf32, #tpu.memory_space<vmem>> -> memref<1x256x128xf32, #tpu.memory_space<vmem>>
    %dma_start3A_45 = tpu.memref_squeeze %dma_start3A_44 : memref<1x256x128xf32, #tpu.memory_space<vmem>> -> memref<256x128xf32, #tpu.memory_space<vmem>>
    %dma_start3A_46 = arith.constant 0 : i32
    %dma_start3A_47 = arith.constant 0 : i32
    %dma_start3A_48 = tpu.memref_slice %dma_start3A_45[%dma_start3A_46, %dma_start3A_47] : memref<256x128xf32, #tpu.memory_space<vmem>> -> memref<128x128xf32, #tpu.memory_space<vmem>>
    %dma_start3A_49 = arith.constant 0 : i32
    %dma_start3A_50 = tpu.memref_slice %arg7[%dma_start3A_40, %dma_start3A_49] : memref<200x128xi32, #tpu.memory_space<vmem>> -> memref<1x128xi32, #tpu.memory_space<vmem>>
    %dma_start3A_51 = tpu.memref_squeeze %dma_start3A_50 : memref<1x128xi32, #tpu.memory_space<vmem>> -> memref<128xi32, #tpu.memory_space<vmem>>
    %dma_start3A_52 = arith.constant 0 : i32
    %dma_start3A_53 = arith.constant 0 : i32
    %dma_start3A_54 = tpu.memref_slice %arg5[%dma_start3A_52, %dma_start3A_53] : memref<101x128xf32, #tpu.memory_space<vmem_shared>> -> memref<101x128xf32, #tpu.memory_space<vmem_shared>>
    tpu.enqueue_indirect_dma source(%dma_start3A_54 : memref<101x128xf32, #tpu.memory_space<vmem_shared>>) target(%dma_start3A_48 : memref<128x128xf32, #tpu.memory_space<vmem>>) offsets(%dma_start3A_51 : memref<128xi32, #tpu.memory_space<vmem>>) semaphore(%arg9 : memref<!tpu.dma_semaphore, #tpu.memory_space<semaphore_mem>>)
    %dma_start3A_55 = arith.constant 199 : i32
    %dma_start3A_56 = arith.constant 1 : i32
    %dma_start3A_57 = arith.constant 0 : i32
    %dma_start3A_58 = arith.constant 0 : i32
    %dma_start3A_59 = tpu.memref_slice %arg8[%dma_start3A_56, %dma_start3A_57, %dma_start3A_58] : memref<2x256x128xf32, #tpu.memory_space<vmem>> -> memref<1x256x128xf32, #tpu.memory_space<vmem>>
    %dma_start3A_60 = tpu.memref_squeeze %dma_start3A_59 : memref<1x256x128xf32, #tpu.memory_space<vmem>> -> memref<256x128xf32, #tpu.memory_space<vmem>>
    %dma_start3A_61 = arith.constant 128 : i32
    %dma_start3A_62 = arith.constant 0 : i32
    %dma_start3A_63 = tpu.memref_slice %dma_start3A_60[%dma_start3A_61, %dma_start3A_62] : memref<256x128xf32, #tpu.memory_space<vmem>> -> memref<128x128xf32, #tpu.memory_space<vmem>>
    %dma_start3A_64 = arith.constant 0 : i32
    %dma_start3A_65 = tpu.memref_slice %arg7[%dma_start3A_55, %dma_start3A_64] : memref<200x128xi32, #tpu.memory_space<vmem>> -> memref<1x128xi32, #tpu.memory_space<vmem>>
    %dma_start3A_66 = tpu.memref_squeeze %dma_start3A_65 : memref<1x128xi32, #tpu.memory_space<vmem>> -> memref<128xi32, #tpu.memory_space<vmem>>
    %dma_start3A_67 = arith.constant 0 : i32
    %dma_start3A_68 = arith.constant 0 : i32
    %dma_start3A_69 = tpu.memref_slice %arg5[%dma_start3A_67, %dma_start3A_68] : memref<101x128xf32, #tpu.memory_space<vmem_shared>> -> memref<101x128xf32, #tpu.memory_space<vmem_shared>>
    tpu.enqueue_indirect_dma source(%dma_start3A_69 : memref<101x128xf32, #tpu.memory_space<vmem_shared>>) target(%dma_start3A_63 : memref<128x128xf32, #tpu.memory_space<vmem>>) offsets(%dma_start3A_66 : memref<128xi32, #tpu.memory_space<vmem>>) semaphore(%arg9 : memref<!tpu.dma_semaphore, #tpu.memory_space<semaphore_mem>>)
    %dma_wait3A = arith.constant 0 : i32
    %dma_wait3A_70 = arith.constant 0 : i32
    %dma_wait3A_71 = arith.constant 0 : i32
    %dma_wait3A_72 = arith.constant 0 : i32
    %dma_wait3A_73 = tpu.memref_slice %arg8[%dma_wait3A_70, %dma_wait3A_71, %dma_wait3A_72] : memref<2x256x128xf32, #tpu.memory_space<vmem>> -> memref<1x256x128xf32, #tpu.memory_space<vmem>>
    %dma_wait3A_74 = tpu.memref_squeeze %dma_wait3A_73 : memref<1x256x128xf32, #tpu.memory_space<vmem>> -> memref<256x128xf32, #tpu.memory_space<vmem>>
    %dma_wait3A_75 = arith.constant 0 : i32
    %dma_wait3A_76 = arith.constant 0 : i32
    %dma_wait3A_77 = tpu.memref_slice %dma_wait3A_74[%dma_wait3A_75, %dma_wait3A_76] : memref<256x128xf32, #tpu.memory_space<vmem>> -> memref<128x128xf32, #tpu.memory_space<vmem>>
    %dma_wait3A_78 = arith.constant 0 : i32
    %dma_wait3A_79 = tpu.memref_slice %arg7[%dma_wait3A, %dma_wait3A_78] : memref<200x128xi32, #tpu.memory_space<vmem>> -> memref<1x128xi32, #tpu.memory_space<vmem>>
    %dma_wait3A_80 = tpu.memref_squeeze %dma_wait3A_79 : memref<1x128xi32, #tpu.memory_space<vmem>> -> memref<128xi32, #tpu.memory_space<vmem>>
    %dma_wait3A_81 = arith.constant 0 : i32
    %dma_wait3A_82 = arith.constant 0 : i32
    %dma_wait3A_83 = tpu.memref_slice %arg5[%dma_wait3A_81, %dma_wait3A_82] : memref<101x128xf32, #tpu.memory_space<vmem_shared>> -> memref<101x128xf32, #tpu.memory_space<vmem_shared>>
    tpu.wait_indirect_dma semaphore(%arg9 : memref<!tpu.dma_semaphore, #tpu.memory_space<semaphore_mem>>) src(%dma_wait3A_83 : memref<101x128xf32, #tpu.memory_space<vmem_shared>>) dst(%dma_wait3A_77 : memref<128x128xf32, #tpu.memory_space<vmem>>)
    %dma_wait3A_84 = arith.constant 1 : i32
    %dma_wait3A_85 = arith.constant 0 : i32
    %dma_wait3A_86 = arith.constant 0 : i32
    %dma_wait3A_87 = arith.constant 0 : i32
    %dma_wait3A_88 = tpu.memref_slice %arg8[%dma_wait3A_85, %dma_wait3A_86, %dma_wait3A_87] : memref<2x256x128xf32, #tpu.memory_space<vmem>> -> memref<1x256x128xf32, #tpu.memory_space<vmem>>
    %dma_wait3A_89 = tpu.memref_squeeze %dma_wait3A_88 : memref<1x256x128xf32, #tpu.memory_space<vmem>> -> memref<256x128xf32, #tpu.memory_space<vmem>>
    %dma_wait3A_90 = arith.constant 128 : i32
    %dma_wait3A_91 = arith.constant 0 : i32
    %dma_wait3A_92 = tpu.memref_slice %dma_wait3A_89[%dma_wait3A_90, %dma_wait3A_91] : memref<256x128xf32, #tpu.memory_space<vmem>> -> memref<128x128xf32, #tpu.memory_space<vmem>>
    %dma_wait3A_93 = arith.constant 0 : i32
    %dma_wait3A_94 = tpu.memref_slice %arg7[%dma_wait3A_84, %dma_wait3A_93] : memref<200x128xi32, #tpu.memory_space<vmem>> -> memref<1x128xi32, #tpu.memory_space<vmem>>
    %dma_wait3A_95 = tpu.memref_squeeze %dma_wait3A_94 : memref<1x128xi32, #tpu.memory_space<vmem>> -> memref<128xi32, #tpu.memory_space<vmem>>
    %dma_wait3A_96 = arith.constant 0 : i32
    %dma_wait3A_97 = arith.constant 0 : i32
    %dma_wait3A_98 = tpu.memref_slice %arg5[%dma_wait3A_96, %dma_wait3A_97] : memref<101x128xf32, #tpu.memory_space<vmem_shared>> -> memref<101x128xf32, #tpu.memory_space<vmem_shared>>
    tpu.wait_indirect_dma semaphore(%arg9 : memref<!tpu.dma_semaphore, #tpu.memory_space<semaphore_mem>>) src(%dma_wait3A_98 : memref<101x128xf32, #tpu.memory_space<vmem_shared>>) dst(%dma_wait3A_92 : memref<128x128xf32, #tpu.memory_space<vmem>>)
    %add3A_99 = arith.constant 25088 : i32
    %add3A_100 = arith.addi %mul3A_4, %add3A_99 : i32
    %run_scoped3A = arith.constant 0 : i32
    "tpu.region"() ({
      %run_scoped3A_134 = tpu.sem_alloc : memref<!tpu.dma_semaphore, #tpu.memory_space<semaphore_mem>>
      %dma_start3A_135 = arith.constant 0 : i32
      %dma_start3A_136 = arith.constant 0 : i32
      %dma_start3A_137 = tpu.memref_slice %arg8[%run_scoped3A, %dma_start3A_135, %dma_start3A_136] : memref<2x256x128xf32, #tpu.memory_space<vmem>> -> memref<1x256x128xf32, #tpu.memory_space<vmem>>
      %dma_start3A_138 = tpu.memref_squeeze %dma_start3A_137 : memref<1x256x128xf32, #tpu.memory_space<vmem>> -> memref<256x128xf32, #tpu.memory_space<vmem>>
      %dma_start3A_139 = arith.constant 0 : i32
      %dma_start3A_140 = tpu.memref_slice %arg4[%add3A_100, %dma_start3A_139] : memref<819200x128xf32, #tpu.memory_space<hbm>> -> memref<256x128xf32, #tpu.memory_space<hbm>>
      %dma_start3A_141 = arith.constant 0 : i32
      %dma_start3A_142 = tpu.memref_slice %arg4[%add3A_100, %dma_start3A_141] : memref<819200x128xf32, #tpu.memory_space<hbm>> -> memref<256x128xf32, #tpu.memory_space<hbm>>
      %dma_start3A_143 = arith.constant 0 : i32
      %dma_start3A_144 = arith.constant 0 : i32
      %dma_start3A_145 = tpu.memref_slice %arg8[%run_scoped3A, %dma_start3A_143, %dma_start3A_144] : memref<2x256x128xf32, #tpu.memory_space<vmem>> -> memref<1x256x128xf32, #tpu.memory_space<vmem>>
      %dma_start3A_146 = tpu.memref_squeeze %dma_start3A_145 : memref<1x256x128xf32, #tpu.memory_space<vmem>> -> memref<256x128xf32, #tpu.memory_space<vmem>>
      tpu.enqueue_dma source(%dma_start3A_146 : memref<256x128xf32, #tpu.memory_space<vmem>>) target(%dma_start3A_142 : memref<256x128xf32, #tpu.memory_space<hbm>>) target_semaphore(%run_scoped3A_134 : memref<!tpu.dma_semaphore, #tpu.memory_space<semaphore_mem>>)
      %dma_wait3A_147 = arith.constant 0 : i32
      %dma_wait3A_148 = arith.constant 0 : i32
      %dma_wait3A_149 = tpu.memref_slice %arg8[%run_scoped3A, %dma_wait3A_147, %dma_wait3A_148] : memref<2x256x128xf32, #tpu.memory_space<vmem>> -> memref<1x256x128xf32, #tpu.memory_space<vmem>>
      %dma_wait3A_150 = tpu.memref_squeeze %dma_wait3A_149 : memref<1x256x128xf32, #tpu.memory_space<vmem>> -> memref<256x128xf32, #tpu.memory_space<vmem>>
      %dma_wait3A_151 = arith.constant 0 : i32
      %dma_wait3A_152 = tpu.memref_slice %arg4[%add3A_100, %dma_wait3A_151] : memref<819200x128xf32, #tpu.memory_space<hbm>> -> memref<256x128xf32, #tpu.memory_space<hbm>>
      %dma_wait3A_153 = arith.constant 0 : i32
      %dma_wait3A_154 = tpu.memref_slice %arg4[%add3A_100, %dma_wait3A_153] : memref<819200x128xf32, #tpu.memory_space<hbm>> -> memref<256x128xf32, #tpu.memory_space<hbm>>
      %dma_wait3A_155 = arith.constant 0 : i32
      %dma_wait3A_156 = arith.constant 0 : i32
      %dma_wait3A_157 = tpu.memref_slice %arg8[%run_scoped3A, %dma_wait3A_155, %dma_wait3A_156] : memref<2x256x128xf32, #tpu.memory_space<vmem>> -> memref<1x256x128xf32, #tpu.memory_space<vmem>>
      %dma_wait3A_158 = tpu.memref_squeeze %dma_wait3A_157 : memref<1x256x128xf32, #tpu.memory_space<vmem>> -> memref<256x128xf32, #tpu.memory_space<vmem>>
      tpu.wait_dma2 semaphore(%run_scoped3A_134 : memref<!tpu.dma_semaphore, #tpu.memory_space<semaphore_mem>>) src(%dma_wait3A_158 : memref<256x128xf32, #tpu.memory_space<vmem>>) dst(%dma_wait3A_154 : memref<256x128xf32, #tpu.memory_space<hbm>>)
      tpu.yield
    }) : () -> ()
    %dma_wait3A_101 = arith.constant 0 : i32
    %dma_wait3A_102 = arith.constant 1 : i32
    %dma_wait3A_103 = arith.constant 0 : i32
    %dma_wait3A_104 = arith.constant 0 : i32
    %dma_wait3A_105 = tpu.memref_slice %arg8[%dma_wait3A_102, %dma_wait3A_103, %dma_wait3A_104] : memref<2x256x128xf32, #tpu.memory_space<vmem>> -> memref<1x256x128xf32, #tpu.memory_space<vmem>>
    %dma_wait3A_106 = tpu.memref_squeeze %dma_wait3A_105 : memref<1x256x128xf32, #tpu.memory_space<vmem>> -> memref<256x128xf32, #tpu.memory_space<vmem>>
    %dma_wait3A_107 = arith.constant 0 : i32
    %dma_wait3A_108 = arith.constant 0 : i32
    %dma_wait3A_109 = tpu.memref_slice %dma_wait3A_106[%dma_wait3A_107, %dma_wait3A_108] : memref<256x128xf32, #tpu.memory_space<vmem>> -> memref<128x128xf32, #tpu.memory_space<vmem>>
    %dma_wait3A_110 = arith.constant 0 : i32
    %dma_wait3A_111 = tpu.memref_slice %arg7[%dma_wait3A_101, %dma_wait3A_110] : memref<200x128xi32, #tpu.memory_space<vmem>> -> memref<1x128xi32, #tpu.memory_space<vmem>>
    %dma_wait3A_112 = tpu.memref_squeeze %dma_wait3A_111 : memref<1x128xi32, #tpu.memory_space<vmem>> -> memref<128xi32, #tpu.memory_space<vmem>>
    %dma_wait3A_113 = arith.constant 0 : i32
    %dma_wait3A_114 = arith.constant 0 : i32
    %dma_wait3A_115 = tpu.memref_slice %arg5[%dma_wait3A_113, %dma_wait3A_114] : memref<101x128xf32, #tpu.memory_space<vmem_shared>> -> memref<101x128xf32, #tpu.memory_space<vmem_shared>>
    tpu.wait_indirect_dma semaphore(%arg9 : memref<!tpu.dma_semaphore, #tpu.memory_space<semaphore_mem>>) src(%dma_wait3A_115 : memref<101x128xf32, #tpu.memory_space<vmem_shared>>) dst(%dma_wait3A_109 : memref<128x128xf32, #tpu.memory_space<vmem>>)
    %dma_wait3A_116 = arith.constant 1 : i32
    %dma_wait3A_117 = arith.constant 1 : i32
    %dma_wait3A_118 = arith.constant 0 : i32
    %dma_wait3A_119 = arith.constant 0 : i32
    %dma_wait3A_120 = tpu.memref_slice %arg8[%dma_wait3A_117, %dma_wait3A_118, %dma_wait3A_119] : memref<2x256x128xf32, #tpu.memory_space<vmem>> -> memref<1x256x128xf32, #tpu.memory_space<vmem>>
    %dma_wait3A_121 = tpu.memref_squeeze %dma_wait3A_120 : memref<1x256x128xf32, #tpu.memory_space<vmem>> -> memref<256x128xf32, #tpu.memory_space<vmem>>
    %dma_wait3A_122 = arith.constant 128 : i32
    %dma_wait3A_123 = arith.constant 0 : i32
    %dma_wait3A_124 = tpu.memref_slice %dma_wait3A_121[%dma_wait3A_122, %dma_wait3A_123] : memref<256x128xf32, #tpu.memory_space<vmem>> -> memref<128x128xf32, #tpu.memory_space<vmem>>
    %dma_wait3A_125 = arith.constant 0 : i32
    %dma_wait3A_126 = tpu.memref_slice %arg7[%dma_wait3A_116, %dma_wait3A_125] : memref<200x128xi32, #tpu.memory_space<vmem>> -> memref<1x128xi32, #tpu.memory_space<vmem>>
    %dma_wait3A_127 = tpu.memref_squeeze %dma_wait3A_126 : memref<1x128xi32, #tpu.memory_space<vmem>> -> memref<128xi32, #tpu.memory_space<vmem>>
    %dma_wait3A_128 = arith.constant 0 : i32
    %dma_wait3A_129 = arith.constant 0 : i32
    %dma_wait3A_130 = tpu.memref_slice %arg5[%dma_wait3A_128, %dma_wait3A_129] : memref<101x128xf32, #tpu.memory_space<vmem_shared>> -> memref<101x128xf32, #tpu.memory_space<vmem_shared>>
    tpu.wait_indirect_dma semaphore(%arg9 : memref<!tpu.dma_semaphore, #tpu.memory_space<semaphore_mem>>) src(%dma_wait3A_130 : memref<101x128xf32, #tpu.memory_space<vmem_shared>>) dst(%dma_wait3A_124 : memref<128x128xf32, #tpu.memory_space<vmem>>)
    %add3A_131 = arith.constant 25344 : i32
    %add3A_132 = arith.addi %mul3A_4, %add3A_131 : i32
    %run_scoped3A_133 = arith.constant 1 : i32
    "tpu.region"() ({
      %run_scoped3A_134 = tpu.sem_alloc : memref<!tpu.dma_semaphore, #tpu.memory_space<semaphore_mem>>
      %dma_start3A_135 = arith.constant 0 : i32
      %dma_start3A_136 = arith.constant 0 : i32
      %dma_start3A_137 = tpu.memref_slice %arg8[%run_scoped3A_133, %dma_start3A_135, %dma_start3A_136] : memref<2x256x128xf32, #tpu.memory_space<vmem>> -> memref<1x256x128xf32, #tpu.memory_space<vmem>>
      %dma_start3A_138 = tpu.memref_squeeze %dma_start3A_137 : memref<1x256x128xf32, #tpu.memory_space<vmem>> -> memref<256x128xf32, #tpu.memory_space<vmem>>
      %dma_start3A_139 = arith.constant 0 : i32
      %dma_start3A_140 = tpu.memref_slice %arg4[%add3A_132, %dma_start3A_139] : memref<819200x128xf32, #tpu.memory_space<hbm>> -> memref<256x128xf32, #tpu.memory_space<hbm>>
      %dma_start3A_141 = arith.constant 0 : i32
      %dma_start3A_142 = tpu.memref_slice %arg4[%add3A_132, %dma_start3A_141] : memref<819200x128xf32, #tpu.memory_space<hbm>> -> memref<256x128xf32, #tpu.memory_space<hbm>>
      %dma_start3A_143 = arith.constant 0 : i32
      %dma_start3A_144 = arith.constant 0 : i32
      %dma_start3A_145 = tpu.memref_slice %arg8[%run_scoped3A_133, %dma_start3A_143, %dma_start3A_144] : memref<2x256x128xf32, #tpu.memory_space<vmem>> -> memref<1x256x128xf32, #tpu.memory_space<vmem>>
      %dma_start3A_146 = tpu.memref_squeeze %dma_start3A_145 : memref<1x256x128xf32, #tpu.memory_space<vmem>> -> memref<256x128xf32, #tpu.memory_space<vmem>>
      tpu.enqueue_dma source(%dma_start3A_146 : memref<256x128xf32, #tpu.memory_space<vmem>>) target(%dma_start3A_142 : memref<256x128xf32, #tpu.memory_space<hbm>>) target_semaphore(%run_scoped3A_134 : memref<!tpu.dma_semaphore, #tpu.memory_space<semaphore_mem>>)
      %dma_wait3A_147 = arith.constant 0 : i32
      %dma_wait3A_148 = arith.constant 0 : i32
      %dma_wait3A_149 = tpu.memref_slice %arg8[%run_scoped3A_133, %dma_wait3A_147, %dma_wait3A_148] : memref<2x256x128xf32, #tpu.memory_space<vmem>> -> memref<1x256x128xf32, #tpu.memory_space<vmem>>
      %dma_wait3A_150 = tpu.memref_squeeze %dma_wait3A_149 : memref<1x256x128xf32, #tpu.memory_space<vmem>> -> memref<256x128xf32, #tpu.memory_space<vmem>>
      %dma_wait3A_151 = arith.constant 0 : i32
      %dma_wait3A_152 = tpu.memref_slice %arg4[%add3A_132, %dma_wait3A_151] : memref<819200x128xf32, #tpu.memory_space<hbm>> -> memref<256x128xf32, #tpu.memory_space<hbm>>
      %dma_wait3A_153 = arith.constant 0 : i32
      %dma_wait3A_154 = tpu.memref_slice %arg4[%add3A_132, %dma_wait3A_153] : memref<819200x128xf32, #tpu.memory_space<hbm>> -> memref<256x128xf32, #tpu.memory_space<hbm>>
      %dma_wait3A_155 = arith.constant 0 : i32
      %dma_wait3A_156 = arith.constant 0 : i32
      %dma_wait3A_157 = tpu.memref_slice %arg8[%run_scoped3A_133, %dma_wait3A_155, %dma_wait3A_156] : memref<2x256x128xf32, #tpu.memory_space<vmem>> -> memref<1x256x128xf32, #tpu.memory_space<vmem>>
      %dma_wait3A_158 = tpu.memref_squeeze %dma_wait3A_157 : memref<1x256x128xf32, #tpu.memory_space<vmem>> -> memref<256x128xf32, #tpu.memory_space<vmem>>
      tpu.wait_dma2 semaphore(%run_scoped3A_134 : memref<!tpu.dma_semaphore, #tpu.memory_space<semaphore_mem>>) src(%dma_wait3A_158 : memref<256x128xf32, #tpu.memory_space<vmem>>) dst(%dma_wait3A_154 : memref<256x128xf32, #tpu.memory_space<hbm>>)
      tpu.yield
    }) : () -> ()
    return
  }
}

</mosaic_0001>

<sc_bundles>
// kernel: kernel.3.cloned.1.call-start
scs
__scs_entry_jumppad:
0x0: {  	(pc) =	sbr.rel $0x88, $3  }
0x1: {  	(tag) =	ssettag $0x0;
	lr =	simm.s32 $0x1  }
0x2: {  	[smem:$0x3F9F] =	sst lr;
	_ =	strace $0xD0000000  }
0x3: {  	_ = 	snop  }
0x4: {  	_ = 	snop  }
0x5: {  	_ = 	snop  }
0x6: {  	_ = 	snop  }
0x7: {  	_ = 	snop  }
__scs_overlays_trampoline_lowered:
0x8: {  	[smem:$0x3FAE] =	sst s0  }
0x9: {  	[smem:$0x3FAF] =	sst s1  }
0xa: {  	[smem:$0x3FB0] =	sst s2  }
0xb: {  	[smem:$0x3FB1] =	sst s3  }
0xc: {  	[smem:$0x3FB2] =	sst s4  }
0xd: {  	[smem:$0x3FB3] =	sst s5  }
0xe: {  	[smem:$0x3FB4] =	sst s6  }
0xf: {  	[smem:$0x3FB5] =	sst s7  }
0x10: {  	[smem:$0x3FB6] =	sst s8  }
0x11: {  	[smem:$0x3FB7] =	sst s9;
	s0 =	simm.s32 @!p0 $0x0  }
0x12: {  	s1 =	sld [smem:$0x3F9D];
	s0 =	simm.s32 @p0 $0x1  }
0x13: {  	[smem:$0x3FB8] =	sst s0;
	s0 =	simm.s32 @!p1 $0x0  }
0x14: {  	s2 =	sld [smem:$0x3F9C];
	s0 =	simm.s32 @p1 $0x1  }
0x15: {  	[smem:$0x3FB9] =	sst s0;
	s0 =	simm.s32 @!p2 $0x0  }
0x16: {  	s3 =	sld [smem:$0x3FDB];
	s0 =	simm.s32 @p2 $0x1  }
0x17: {  	s4 =	simm.s32 $0x1BF5;
	[smem:$0x3FBB] =	sst s0  }
0x18: {  	s0 =	sld [smem:$0x3F9E];
	_ =	swait.ge [sflag:s4], $0x0  }
0x19: {  	s7 =	sld [smem:$0x3F9F]  }
0x1a: {  	s8 =	sadd.s32 $0xFFFFE003, lr  }
0x1b: {  	s9 =	sadd.s32 $0xFFFFFEF7, lr;
	s5 =	simm.s32 $0xFFFFFFFF;
	p2 =	slt.u32 s8, $0xFFFFF086  }
0x1c: {  	p1 =	slt.u32 s9, $0xF7A;
	s5 =	simm.s32 @!p2 $0x0  }
0x1d: {  	s5 =	simm.s32 @p1 $0x1;
	p0 =	seq.s32 s7, s2  }
0x1e: {  	s7 =	smul.u32 @!p0 $0xF7A, s2;
	p2 =	seq.s32 @!p0 s5, $0x0  }
0x1f: {  	s9 =	smul.u32 $0xF7A, s1;
	s8 =	simm.s32 @!p0 $0x1BF5;
	p2 =	por !p2, p0  }
0x20: {  	[sflag:s8] =	ssyncset.s32 @!p0 $0xFFFFF086;
	s6 =	sadd.s32 @!p0 s3, s7;
	s7 =	simm.s32 @!p0 $0x108  }
0x21: {  	s3 =	sadd.s32 s3, s9;
	s6 =	sadd.s32 @!p0 $0x88, s6;
	s7 =	simm.s32 @p2 $0x1082  }
0x22: {  	[simem:s7], [sflag:s8] =	dma.local @!p0 [hbm:s6], $0xF7A  }
0x23: {  	s9 =	sor.u32 $0xD0000000, s2;
	s6 =	simm.s32 $0x108;
	_ =	swait.ge @!p0 [sflag:s8], $0x0  }
0x24: {  	s3 =	sadd.s32 $0x88, s3;
	s6 =	simm.s32 @!p1 $0x1082;
	[sflag:s4] =	ssyncset.s32 $0xFFFFF086  }
0x25: {  	[simem:s6], [sflag:s4] =	dma.local [hbm:s3], $0xF7A  }
0x26: {  	[smem:$0x3F9F] =	sst s1;
	(tag) =	ssettag s2;
	_ =	strace s9  }
0x27: {  	s1 =	sld [smem:$0x3FAF]  }
0x28: {  	s2 =	sld [smem:$0x3FB0]  }
0x29: {  	s4 =	sld [smem:$0x3FB2]  }
0x2a: {  	p0 =	seq.s32 s5, $0x0;
	s5 =	sld [smem:$0x3FB3]  }
0x2b: {  	s6 =	sld [smem:$0x3FB4]  }
0x2c: {  	s7 =	sld [smem:$0x3FB5]  }
0x2d: {  	s3 =	simm.s32 $0x108;
	s8 =	sld [smem:$0x3FB6]  }
0x2e: {  	s3 =	simm.s32 @!p0 $0x1082;
	s9 =	sld [smem:$0x3FB7]  }
0x2f: {  	lr =	sadd.s32 s0, s3;
	s0 =	sld [smem:$0x3FAE]  }
0x30: {  	s3 =	sld [smem:$0x3FB1]  }
0x31: {  	[smem:$0x3FBA] =	sst s10  }
0x32: {  	s10 =	sld [smem:$0x3FB8];
	_ =	sdelay $0x3  }
0x33: {  	p0 =	seq.s32 s10, $0x1;
	s10 =	sld [smem:$0x3FBA];
	_ =	sdelay $0x3  }
0x34: {  	[smem:$0x3FBA] =	sst s10  }
0x35: {  	s10 =	sld [smem:$0x3FB9];
	_ =	sdelay $0x3  }
0x36: {  	p1 =	seq.s32 s10, $0x1;
	s10 =	sld [smem:$0x3FBA];
	_ =	sdelay $0x3  }
0x37: {  	[smem:$0x3FBA] =	sst s10  }
0x38: {  	s10 =	sld [smem:$0x3FBB]  }
0x39: {  	_ = 	snop;
	(pc) =	sbr.ind lr, $3  }
0x3a: {  	_ = 	snop  }
0x3b: {  	_ = 	snop  }
0x3c: {  	p2 =	seq.s32 s10, $0x1;
	s10 =	sld [smem:$0x3FBA]  }
0x3d: {  	_ =	shalt  }
0x3e: {  	_ =	shalt  }
0x3f: {  	_ =	shalt  }
0x40: {  	_ =	shalt  }
0x41: {  	_ =	shalt  }
0x42: {  	_ =	shalt  }
0x43: {  	_ =	shalt  }
0x44: {  	_ =	shalt  }
0x45: {  	_ =	shalt  }
0x46: {  	_ =	shalt  }
0x47: {  	_ =	shalt  }
0x48: {  	_ =	shalt  }
0x49: {  	_ =	shalt  }
0x4a: {  	_ =	shalt  }
0x4b: {  	_ =	shalt  }
0x4c: {  	_ =	shalt  }
0x4d: {  	_ =	shalt  }
0x4e: {  	_ =	shalt  }
0x4f: {  	_ =	shalt  }
0x50: {  	_ =	shalt  }
0x51: {  	_ =	shalt  }
0x52: {  	_ =	shalt  }
0x53: {  	_ =	shalt  }
0x54: {  	_ =	shalt  }
0x55: {  	_ =	shalt  }
0x56: {  	_ =	shalt  }
0x57: {  	_ =	shalt  }
0x58: {  	_ =	shalt  }
0x59: {  	_ =	shalt  }
0x5a: {  	_ =	shalt  }
0x5b: {  	_ =	shalt  }
0x5c: {  	_ =	shalt  }
0x5d: {  	_ =	shalt  }
0x5e: {  	_ =	shalt  }
0x5f: {  	_ =	shalt  }
0x60: {  	_ =	shalt  }
0x61: {  	_ =	shalt  }
0x62: {  	_ =	shalt  }
0x63: {  	_ =	shalt  }
0x64: {  	_ =	shalt  }
0x65: {  	_ =	shalt  }
0x66: {  	_ =	shalt  }
0x67: {  	_ =	shalt  }
0x68: {  	_ =	shalt  }
0x69: {  	_ =	shalt  }
0x6a: {  	_ =	shalt  }
0x6b: {  	_ =	shalt  }
0x6c: {  	_ =	shalt  }
0x6d: {  	_ =	shalt  }
0x6e: {  	_ =	shalt  }
0x6f: {  	_ =	shalt  }
0x70: {  	_ =	shalt  }
0x71: {  	_ =	shalt  }
0x72: {  	_ =	shalt  }
0x73: {  	_ =	shalt  }
0x74: {  	_ =	shalt  }
0x75: {  	_ =	shalt  }
0x76: {  	_ =	shalt  }
0x77: {  	_ =	shalt  }
0x78: {  	_ =	shalt  }
0x79: {  	_ =	shalt  }
0x7a: {  	_ =	shalt  }
0x7b: {  	_ =	shalt  }
0x7c: {  	_ =	shalt  }
0x7d: {  	_ =	shalt  }
0x7e: {  	_ =	shalt  }
0x7f: {  	_ =	shalt  }
0x80: {  	_ =	shalt  }
0x81: {  	_ =	shalt  }
0x82: {  	_ =	shalt  }
0x83: {  	_ =	shalt  }
0x84: {  	_ =	shalt  }
0x85: {  	_ =	shalt  }
0x86: {  	_ =	shalt  }
0x87: {  	_ =	shalt  }
.Lfunc_end0:
.L_simem_size_0:
called_computation.1_lowered:
.L_overlay_start_0:
0x88: {  	s2 =	sld [smem:$0x3FD9]  }
0x89: {  	s3 =	sld [smem:$0x3FFE];
	_ =	sdelay $0x1  }
0x8a: {  	s1 =	srdreg.scid  }
0x8b: {  	s0 =	sand.u32 $0x1, s1  }
0x8c: {  	s17 =	sshll.u32 s0, $0xA;
	s2 =	sadd.s32 s3, s2  }
0x8d: {  	s2 =	sadd.s32 s2, s17  }
0x8e: {  	[smem:$0x3FC6] =	sst s2  }
0x8f: {  	_ = 	snop  }
0x90: {  	s2 =	sld [smem:$0x3FD0];
	(tm) =	ssettm $0x1  }
0x91: {  	s18 =	sld [smem:$0x3FFB];
	_ =	sdelay $0x3  }
0x92: {  	_ =	strace s18  }
0x93: {  	s3 =	sld [smem:$0x3FFC];
	_ =	sdelay $0x3  }
0x94: {  	_ =	strace s3  }
0x95: {  	s3 =	sld [smem:$0x3FFD];
	_ =	sdelay $0x3  }
0x96: {  	_ =	strace s3  }
0x97: {  	_ =	strace $0x8FFFFFFF  }
0x98: {  	s19 =	sld [smem:$0x3FDB];
	_ =	sdelay $0x1  }
0x99: {  	s4 =	simm.s32 $_scs_section_size  }
0x9a: {  	s5 =	simm.s32 $_size__tile_overlayer_lowered;
	s6 =	simm.s32 $_tile_overlayer_lowered  }
0x9b: {  	s22 =	simm.s32 $0x1BFF;
	s21 =	sshll.u32 s6, $0x1;
	s3 =	sadd.s32 s4, s19  }
0x9c: {  	s7 =	simm.s32 $0x0;
	s20 =	sshll.u32 s5, $0x1;
	s5 =	sadd.s32 s21, s3  }
0x9d: {  	[timem:s7], [sflag:s22] =	dma.local [hbm:s5], s20  }
0x9e: {  	_ =	swait.ge [sflag:s22], s20  }
0x9f: {  	s4 =	ssub.s32 $0x0, s20;
	[sflag:s22] =	ssyncset.done $0x0  }
0xa0: {  	[sflag:s22] =	ssyncadd.s32 s4;
	_ =	sdelay $0x1  }
0xa1: {  	s23 =	simm.s32 $0x1B8B  }
0xa2: {  	_ =	swait.ge [sflag:s23], $0x1  }
0xa3: {  	[sflag:s23] =	ssyncset.done $0x0  }
0xa4: {  	s25 =	simm.s32 $0x1B8E;
	s24 =	sld [smem:$0x3FFE];
	[sflag:s23] =	ssyncadd.s32 $0xFFFFFFFF  }
0xa5: {  	s26 =	simm.s32 $execute0_lowered;
	[smem:$0x3FD2] =	sst s25  }
0xa6: {  	s5 =	sshll.u32 s26, $0x1;
	_ =	strace $0x80000046;
	[dreg:$0x1] =	wrdreg $0xFFFFFFFF  }
0xa7: {  	s28 =	simm.s32 $_size_execute0_lowered;
	s3 =	sadd.s32 s3, s5;
	[dreg:$0x0] =	wrdreg $0x0  }
0xa8: {  	s5 =	sshll.u32 s28, $0x1;
	[dreg:$0x2] =	wrdreg s3  }
0xa9: {  	[dreg:$0x3] =	wrdreg s5  }
0xaa: {  	[dreg:$0x4] =	wrdreg $0xC0  }
0xab: {  	_ =	task [dreg:s7], $0x5FFFF  }
0xac: {  	[dreg:$0x1] =	wrdreg $0xFFFFFFFF  }
0xad: {  	[dreg:$0x0] =	wrdreg $0x60  }
0xae: {  	[dreg:$0x2] =	wrdreg s2  }
0xaf: {  	[dreg:$0x3] =	wrdreg s24  }
0xb0: {  	[dreg:$0x4] =	wrdreg $0x0  }
0xb1: {  	[dreg:$0x5] =	wrdreg $0x9  }
0xb2: {  	_ =	task.clear_ibuf [dreg:s7], $0x6FFFF;
	_ =	strace $0x90000046  }
0xb3: {  	s29 =	simm.s32 $0x9;
	_ =	strace $0x80000048  }
0xb4: {  	_ =	swait.ge [sflag:s29], $0x1  }
0xb5: {  	[sflag:s29] =	ssyncadd.s32 $0xFFFFFFFF  }
0xb6: {  	_ =	strace $0x90000048  }
0xb7: {  	_ =	sfence  }
0xb8: {  	s30 =	sld [smem:$0x0];
	_ =	sdelay $0x2  }
0xb9: {  	s31 =	sshll.u32 s1, $0xD;
	s1 =	sshrl.u32 s1, $0x2  }
0xba: {  	s3 =	sand.u32 $0x4000, s31;
	s1 =	sadd.s32 s1, s30  }
0xbb: {  	s0 =	sor.u32 s3, s0;
	s1 =	sshll.u32 s1, $0x11  }
0xbc: {  	s0 =	sor.u32 s1, s0  }
0xbd: {  	s0 =	sadd.s32 $0x8F2B, s0  }
0xbe: {  	[sflag:s0] =	ssyncadd.remote.s32 $0x1  }
0xbf: {  	_ =	sfence.sel $0xFFFF  }
0xc0: {  	[dreg:$0x0] =	wrdreg $0xFFFFFFFF;
	(pc) =	sbr.abs _section_cstart, $3  }
0xc1: {  	[dreg:$0x1] =	wrdreg $0xFFFFFFFF  }
0xc2: {  	_ =	task.clear_ibuf [dreg:s7], $0x2FFFF;
	_ =	strace $0x9FFFFFFF  }
0xc3: {  	(tm) =	ssettm $0x7FFFFFFF  }
tec
execute0_lowered:
.L_overlay_start_1:
0x0: {  	(tag) =	ssettag $0x1  }
0x1: {  	s4 =	rddreg [dreg:$0x0];
	s0 =	srdreg.scid  }
0x2: {  	s10 =	stileid.u32;
	s5 =	rddreg [dreg:$0x1]  }
0x3: {  	s1 =	rddreg [dreg:$0x2];
	s2 =	simm.s32 $0x0;
	s14 =	simm.s32 $0x3628  }
0x4: {  	s15 =	simm.s32 $0xD9A8;
	s16 =	simm.s32 $0x119A8;
	s17 =	simm.s32 $0x159A8  }
0x5: {  	s18 =	simm.s32 $0x1;
	s19 =	simm.s32 $0x98A8;
	s20 =	simm.s32 $0x9928  }
0x6: {  	s21 =	simm.s32 $0x0;
	s6 =	sand.u32 $0x1, s0;
	s0 =	rddreg [dreg:$0x3]  }
0x7: {  	s26 =	sshll.u32 s10, $0x1;
	[smem:$0x7FF] =	sst s2;
	s11 =	smul.u32 $0x640000, s10  }
0x8: {  	s13 =	sadd.s32 $0x1000, s5;
	p0 =	sne.s32 s10, $0x0;
	s10 =	simm.s32 $0x35A8  }
0x9: {  	s3 =	sor.u32 s6, s26;
	s9 =	ssub.s32 $0x2, s6;
	s6 =	smul.u32 $0x320000, s6  }
0xa: {  	_ =	strace $0x80000047;
	s8 =	smul.u32 $0x320000, s3;
	s12 =	sshrl.u32 s9, $0x1  }
0xb: {  	s7 =	smul.u32 $0xC80, s3;
	s3 =	sadd.s32 $0x800, s5;
	s9 =	ssub.s32 s9, s12  }
0xc: {  	s30 =	sadd.s32 s6, s11;
	s12 =	simm.s32 $0x80;
	s28 =	sshrl.u32 s8, $0x3  }
0xd: {  	s4 =	sadd.s32 s4, s7;
	s11 =	sor.u32 $0x8000, s30;
	s7 =	smax.u32 s9, $0x1  }
0xe: {  	s8 =	sshrl.u32 s30, $0x3;
	s29 =	sadd.s32 s13, s28;
	s31 =	sshrl.u32 s11, $0x3  }
0xf: {  	s8 =	sadd.s32 s8, s13;
	s11 =	simm.s32 $0x2;
	s5 =	sadd.s32 $0x62000, s29  }
0x10: {  	s6 =	sadd.s32 $0x63000, s29;
	s9 =	sadd.s32 s31, s13;
	s13 =	simm.s32 $0x99A8  }
.LBB2_1:
0x11: {  	s22 =	simm.s32 @!p0 $0x0;
	s23 =	simm.s32 @!p0 $0x328  }
0x12: {  	[tilespmem:s23], [sflag:$0x2] =	stream.linear.gather @!p0 [hbm4b:s3+s22], $0x3280, $0x38;
	[tilespmem:$0x199A8] =	vst v63  }
0x13: {  	s22 =	simm.s32 @!p0 $0x2  }
0x14: {  	_ =	swait.ge @!p0 [sflag:s22], $0x3280  }
0x15: {  	[sflag:s22] =	ssyncset.done @!p0 $0x0  }
0x16: {  	[sflag:s22] =	ssyncadd.s32 @!p0 $0xFFFFCD80  }
0x17: {  	[spmem:s1] =	stream.linear.scatter @!p0 [tilespmem:s23], [sflag:$0x2], $0x3280, $0x38;
	[tilespmem:$0x199A8] =	vst v63  }
0x18: {  	_ =	swait.ge @!p0 [sflag:s22], $0x3280  }
0x19: {  	[sflag:s22] =	ssyncset.done @!p0 $0x0  }
0x1a: {  	[sflag:s22] =	ssyncadd.s32 @!p0 $0xFFFFCD80  }
0x1b: {  	[tilespmem:s10], [sflag:$0x2] =	stream.linear.gather [hbm4b:s4+s2], $0x6400, $0x38;
	[tilespmem:$0x199A8] =	vst v63  }
0x1c: {  	_ =	swait.ge [sflag:s11], $0x6400  }
0x1d: {  	[sflag:s11] =	ssyncset.done $0x0  }
0x1e: {  	[sflag:s11] =	ssyncadd.s32 $0xFFFF9C00  }
0x1f: {  	[bflag:$0x0] =	sbarrier.arrive $0xFFFF  }
0x20: {  	[tilespmem:s13], [sflag:$0x1] =	stream.indirect.gather [spmem:s1], $0x80, s10, s12, $0xb8;
	[tilespmem:$0x199A8] =	vst v63  }
0x21: {  	_ = 	snop  }
0x22: {  	[tilespmem:s15], [sflag:$0x1] =	stream.indirect.gather [spmem:s1], $0x80, s14, s12, $0xb8;
	[tilespmem:$0x199A8] =	vst v63  }
0x23: {  	s28 =	simm.s32 $0x36A8  }
0x24: {  	[tilespmem:s16], [sflag:$0x1] =	stream.indirect.gather [spmem:s1], $0x80, s28, s12, $0xb8;
	[tilespmem:$0x199A8] =	vst v63  }
0x25: {  	s29 =	simm.s32 $0x3728  }
0x26: {  	[tilespmem:s17], [sflag:$0x1] =	stream.indirect.gather [spmem:s1], $0x80, s29, s12, $0xb8;
	[tilespmem:$0x199A8] =	vst v63  }
0x27: {  	_ =	swait.ge [sflag:s18], $0x4000  }
0x28: {  	[sflag:s18] =	ssyncset.done $0x0  }
0x29: {  	[sflag:s18] =	ssyncadd.s32 $0xFFFFC000  }
0x2a: {  	_ =	swait.ge [sflag:s18], $0x4000  }
0x2b: {  	[sflag:s18] =	ssyncset.done $0x0  }
0x2c: {  	[sflag:s18] =	ssyncadd.s32 $0xFFFFC000  }
0x2d: {  	[hbm4b:s8+s2] =	stream.linear.scatter [tilespmem:s13], [sflag:$0x2], $0x8000, $0x38;
	[tilespmem:$0x199A8] =	vst v63  }
0x2e: {  	_ =	swait.ge [sflag:s11], $0x8000  }
0x2f: {  	[sflag:s11] =	ssyncset.done $0x0  }
0x30: {  	s30 =	simm.s32 $0x37A8;
	[sflag:s11] =	ssyncadd.s32 $0xFFFF8000  }
0x31: {  	[tilespmem:s13], [sflag:$0x1] =	stream.indirect.gather [spmem:s1], $0x80, s30, s12, $0xb8;
	[tilespmem:$0x199A8] =	vst v63  }
0x32: {  	s31 =	simm.s32 $0x3828  }
0x33: {  	[tilespmem:s15], [sflag:$0x1] =	stream.indirect.gather [spmem:s1], $0x80, s31, s12, $0xb8;
	[tilespmem:$0x199A8] =	vst v63  }
0x34: {  	_ =	swait.ge [sflag:s18], $0x4000  }
0x35: {  	[sflag:s18] =	ssyncset.done $0x0  }
0x36: {  	[sflag:s18] =	ssyncadd.s32 $0xFFFFC000  }
0x37: {  	_ =	swait.ge [sflag:s18], $0x4000  }
0x38: {  	[sflag:s18] =	ssyncset.done $0x0  }
0x39: {  	[sflag:s18] =	ssyncadd.s32 $0xFFFFC000  }
0x3a: {  	[hbm4b:s9+s2] =	stream.linear.scatter [tilespmem:s16], [sflag:$0x2], $0x8000, $0x38;
	[tilespmem:$0x199A8] =	vst v63  }
0x3b: {  	s25 =	simm.s32 $0x1000;
	s24 =	simm.s32 $0x200;
	_ =	swait.ge [sflag:s11], $0x8000  }
0x3c: {  	s23 =	sadd.s32 $0x2000, s8;
	s22 =	sadd.s32 $0x2000, s9;
	[sflag:s11] =	ssyncset.done $0x0  }
.LBB2_2:
0x3d: {  	s26 =	sadd.s32 $0x36A8, s24  }
0x3e: {  	[sflag:s11] =	ssyncadd.s32 $0xFFFF8000;
	s28 =	smov.u32 s25;
	s29 =	sadd.s32 $0x800, s25  }
0x3f: {  	[tilespmem:s16], [sflag:$0x1] =	stream.indirect.gather [spmem:s1], $0x80, s26, s12, $0xb8;
	[tilespmem:$0x199A8] =	vst v63  }
0x40: {  	p1 =	sne.s32 s25, $0x18000;
	s25 =	sadd.s32 $0x3728, s24  }
0x41: {  	[tilespmem:s17], [sflag:$0x1] =	stream.indirect.gather [spmem:s1], $0x80, s25, s12, $0xb8;
	[tilespmem:$0x199A8] =	vst v63  }
0x42: {  	_ =	swait.ge [sflag:s18], $0x4000  }
0x43: {  	[sflag:s18] =	ssyncset.done $0x0  }
0x44: {  	[sflag:s18] =	ssyncadd.s32 $0xFFFFC000  }
0x45: {  	_ =	swait.ge [sflag:s18], $0x4000  }
0x46: {  	[sflag:s18] =	ssyncset.done $0x0  }
0x47: {  	[sflag:s18] =	ssyncadd.s32 $0xFFFFC000  }
0x48: {  	[hbm4b:s23+s2] =	stream.linear.scatter [tilespmem:s13], [sflag:$0x2], $0x8000, $0x38;
	[tilespmem:$0x199A8] =	vst v63  }
0x49: {  	_ =	swait.ge [sflag:s11], $0x8000  }
0x4a: {  	[sflag:s11] =	ssyncset.done $0x0  }
0x4b: {  	s25 =	sadd.s32 $0x37A8, s24;
	[sflag:s11] =	ssyncadd.s32 $0xFFFF8000  }
0x4c: {  	[tilespmem:s13], [sflag:$0x1] =	stream.indirect.gather [spmem:s1], $0x80, s25, s12, $0xb8;
	[tilespmem:$0x199A8] =	vst v63  }
0x4d: {  	s24 =	sadd.s32 $0x3828, s24  }
0x4e: {  	[tilespmem:s15], [sflag:$0x1] =	stream.indirect.gather [spmem:s1], $0x80, s24, s12, $0xb8;
	[tilespmem:$0x199A8] =	vst v63  }
0x4f: {  	_ =	swait.ge [sflag:s18], $0x4000  }
0x50: {  	[sflag:s18] =	ssyncset.done $0x0  }
0x51: {  	[sflag:s18] =	ssyncadd.s32 $0xFFFFC000  }
0x52: {  	_ =	swait.ge [sflag:s18], $0x4000  }
.Ltmp0:
0x53: {  	[sflag:s18] =	ssyncset.done $0x0;
	(pc) =	sbr.rel @p1 .LBB2_2-.Ltmp0, $4  }
0x54: {  	[sflag:s18] =	ssyncadd.s32 $0xFFFFC000  }
0x55: {  	[hbm4b:s22+s2] =	stream.linear.scatter [tilespmem:s16], [sflag:$0x2], $0x8000, $0x38;
	[tilespmem:$0x199A8] =	vst v63  }
0x56: {  	s23 =	sadd.s32 $0x2000, s23;
	s22 =	sadd.s32 $0x2000, s22;
	_ =	swait.ge [sflag:s11], $0x8000  }
0x57: {  	s25 =	smov.u32 s29;
	s24 =	sshra.s32 s28, $0x2;
	[sflag:s11] =	ssyncset.done $0x0  }
0x58: {  	s25 =	sadd.s32 $0x36A8, s24;
	[sflag:s11] =	ssyncadd.s32 $0xFFFF8000  }
0x59: {  	[tilespmem:s16], [sflag:$0x1] =	stream.indirect.gather [spmem:s1], $0x80, s25, s12, $0xb8;
	[tilespmem:$0x199A8] =	vst v63  }
0x5a: {  	s29 =	sadd.s32 $0x3728, s24  }
0x5b: {  	[tilespmem:s17], [sflag:$0x1] =	stream.indirect.gather [spmem:s1], $0x80, s29, s12, $0xb8;
	[tilespmem:$0x199A8] =	vst v63  }
0x5c: {  	_ =	swait.ge [sflag:s18], $0x4000  }
0x5d: {  	[sflag:s18] =	ssyncset.done $0x0  }
0x5e: {  	[sflag:s18] =	ssyncadd.s32 $0xFFFFC000  }
0x5f: {  	_ =	swait.ge [sflag:s18], $0x4000  }
0x60: {  	[sflag:s18] =	ssyncset.done $0x0  }
0x61: {  	[sflag:s18] =	ssyncadd.s32 $0xFFFFC000  }
0x62: {  	[hbm4b:s23+s2] =	stream.linear.scatter [tilespmem:s13], [sflag:$0x2], $0x8000, $0x38;
	[tilespmem:$0x199A8] =	vst v63  }
0x63: {  	_ =	swait.ge [sflag:s11], $0x8000  }
0x64: {  	[sflag:s11] =	ssyncset.done $0x0  }
0x65: {  	s30 =	sadd.s32 $0x37A8, s24;
	[sflag:s11] =	ssyncadd.s32 $0xFFFF8000  }
0x66: {  	[tilespmem:s13], [sflag:$0x1] =	stream.indirect.gather [spmem:s1], $0x80, s30, s12, $0xb8;
	[tilespmem:$0x199A8] =	vst v63  }
0x67: {  	s31 =	sadd.s32 $0x3828, s24  }
0x68: {  	[tilespmem:s15], [sflag:$0x1] =	stream.indirect.gather [spmem:s1], $0x80, s31, s12, $0xb8;
	[tilespmem:$0x199A8] =	vst v63  }
0x69: {  	_ =	swait.ge [sflag:s18], $0x4000  }
0x6a: {  	[sflag:s18] =	ssyncset.done $0x0  }
0x6b: {  	[sflag:s18] =	ssyncadd.s32 $0xFFFFC000  }
0x6c: {  	_ =	swait.ge [sflag:s18], $0x4000  }
0x6d: {  	[sflag:s18] =	ssyncset.done $0x0  }
0x6e: {  	[sflag:s18] =	ssyncadd.s32 $0xFFFFC000  }
0x6f: {  	[hbm4b:s22+s2] =	stream.linear.scatter [tilespmem:s16], [sflag:$0x2], $0x8000, $0x38;
	[tilespmem:$0x199A8] =	vst v63  }
0x70: {  	_ =	swait.ge [sflag:s11], $0x8000  }
0x71: {  	[sflag:s11] =	ssyncset.done $0x0  }
0x72: {  	[sflag:s11] =	ssyncadd.s32 $0xFFFF8000  }
0x73: {  	[tilespmem:s16], [sflag:$0x1] =	stream.indirect.gather [spmem:s1], $0x80, s19, s12, $0xb8;
	[tilespmem:$0x199A8] =	vst v63  }
0x74: {  	_ = 	snop  }
0x75: {  	[tilespmem:s17], [sflag:$0x1] =	stream.indirect.gather [spmem:s1], $0x80, s20, s12, $0xb8;
	[tilespmem:$0x199A8] =	vst v63  }
0x76: {  	_ =	swait.ge [sflag:s18], $0x4000  }
0x77: {  	[sflag:s18] =	ssyncset.done $0x0  }
0x78: {  	[sflag:s18] =	ssyncadd.s32 $0xFFFFC000  }
0x79: {  	_ =	swait.ge [sflag:s18], $0x4000  }
0x7a: {  	[sflag:s18] =	ssyncset.done $0x0  }
0x7b: {  	[sflag:s18] =	ssyncadd.s32 $0xFFFFC000  }
0x7c: {  	[hbm4b:s5+s2] =	stream.linear.scatter [tilespmem:s13], [sflag:$0x2], $0x8000, $0x38;
	[tilespmem:$0x199A8] =	vst v63  }
0x7d: {  	_ =	swait.ge [sflag:s11], $0x8000  }
0x7e: {  	[sflag:s11] =	ssyncset.done $0x0  }
0x7f: {  	[sflag:s11] =	ssyncadd.s32 $0xFFFF8000  }
0x80: {  	_ =	swait.ge [sflag:s18], $0x4000  }
0x81: {  	[sflag:s18] =	ssyncset.done $0x0  }
0x82: {  	[sflag:s18] =	ssyncadd.s32 $0xFFFFC000  }
0x83: {  	s21 =	sadd.s32 $0x1, s21;
	_ =	swait.ge [sflag:s18], $0x4000  }
0x84: {  	p1 =	sne.s32 s21, s7;
	[sflag:s18] =	ssyncset.done $0x0  }
.Ltmp1:
0x85: {  	[sflag:s18] =	ssyncadd.s32 $0xFFFFC000;
	(pc) =	sbr.rel @p1 .LBB2_1-.Ltmp1, $4  }
0x86: {  	[hbm4b:s6+s2] =	stream.linear.scatter [tilespmem:s16], [sflag:$0x2], $0x8000, $0x38;
	[tilespmem:$0x199A8] =	vst v63  }
0x87: {  	_ =	swait.ge [sflag:s11], $0x8000  }
0x88: {  	[sflag:s11] =	ssyncset.done $0x0  }
0x89: {  	[sflag:s11] =	ssyncadd.s32 $0xFFFF8000  }
0x8a: {  	_ =	sfence.sel $0x180000  }
0x8b: {  	[bflag:$0x0] =	sbarrier.arrive $0xFFFF  }
0x8c: {  	_ =	strace $0x90000047  }
0x8d: {  	s0 =	sadd.s32 @!p0 $0x100000, s0;
	[bflag:$0x2] =	sbarrier.arrive $0xFFFF  }
0x8e: {  	[sflag:s0] =	ssyncadd.tile.s32 @!p0 $0x1;
	_ =	shalt  }
.Lfunc_end2:
_tile_overlayer_lowered:
.L_overlay_start_2:
0x8f: {  	(tag) =	ssettag $0x2  }
0x90: {  	s0 =	rddreg [dreg:$0x0];
	s2 =	stileid.u32  }
0x91: {  	s1 =	rddreg [dreg:$0x1];
	p0 =	sne.s32 s2, $0x0  }
0x92: {  	s3 =	rddreg [dreg:$0x2];
	[bflag:$0x3] =	sbarrier.arrive $0xFFFF;
	s2 =	simm.s32 @!p0 $0x1C02  }
0x93: {  	[timem:s3], [sflag:s2] =	dma.local @!p0 [hbm:s0], s1  }
0x94: {  	s0 =	simm.s32 @!p0 $0x2  }
0x95: {  	_ =	swait.ge @!p0 [sflag:s0], s1  }
0x96: {  	s1 =	ssub.s32 @!p0 $0x0, s1;
	[sflag:s0] =	ssyncset.done @!p0 $0x0  }
0x97: {  	[sflag:s0] =	ssyncadd.s32 @!p0 s1  }
0x98: {  	[bflag:$0x3] =	sbarrier.arrive $0xFFFF  }
0x99: {  	_ =	shalt  }

// kernel: sparse-core-data-format-call.cloned.1.call-start
scs
called_computation_lowered:
.L_overlay_start_0:
0x0: {  	s2 =	sld [smem:$0x3FD9]  }
0x1: {  	s3 =	sld [smem:$0x3FFE];
	_ =	sdelay $0x1  }
0x2: {  	s1 =	srdreg.scid  }
0x3: {  	s0 =	sand.u32 $0x1, s1  }
0x4: {  	s18 =	sshll.u32 s0, $0xA;
	s2 =	sadd.s32 s3, s2  }
0x5: {  	s2 =	sadd.s32 s2, s18  }
0x6: {  	[smem:$0x3FC6] =	sst s2  }
0x7: {  	_ = 	snop  }
0x8: {  	s2 =	sld [smem:$0x3FD0];
	(tm) =	ssettm $0x1  }
0x9: {  	s19 =	sld [smem:$0x3FFB];
	_ =	sdelay $0x3  }
0xa: {  	_ =	strace s19  }
0xb: {  	s3 =	sld [smem:$0x3FFC];
	_ =	sdelay $0x3  }
0xc: {  	_ =	strace s3  }
0xd: {  	s3 =	sld [smem:$0x3FFD];
	_ =	sdelay $0x3  }
0xe: {  	_ =	strace s3  }
0xf: {  	_ =	strace $0x8FFFFFFF  }
0x10: {  	s20 =	sld [smem:$0x3FDB];
	_ =	sdelay $0x1  }
0x11: {  	s4 =	simm.s32 $_scs_section_size  }
0x12: {  	s5 =	simm.s32 $_size__tile_overlayer_lowered;
	s6 =	simm.s32 $_tile_overlayer_lowered  }
0x13: {  	s23 =	simm.s32 $0x1BFF;
	s22 =	sshll.u32 s6, $0x1;
	s3 =	sadd.s32 s4, s20  }
0x14: {  	s7 =	simm.s32 $0x0;
	s21 =	sshll.u32 s5, $0x1;
	s5 =	sadd.s32 s22, s3  }
0x15: {  	[timem:s7], [sflag:s23] =	dma.local [hbm:s5], s21  }
0x16: {  	_ =	swait.ge [sflag:s23], s21  }
0x17: {  	s4 =	ssub.s32 $0x0, s21;
	[sflag:s23] =	ssyncset.done $0x0  }
0x18: {  	[sflag:s23] =	ssyncadd.s32 s4;
	_ =	sdelay $0x1  }
0x19: {  	s24 =	simm.s32 $0x1B8B  }
0x1a: {  	_ =	swait.ge [sflag:s24], $0x1  }
0x1b: {  	[sflag:s24] =	ssyncset.done $0x0  }
0x1c: {  	s26 =	simm.s32 $0x1B8E;
	s25 =	sld [smem:$0x3FFE];
	[sflag:s24] =	ssyncadd.s32 $0xFFFFFFFF  }
0x1d: {  	s27 =	simm.s32 $execute0_lowered;
	[smem:$0x3FD2] =	sst s26  }
0x1e: {  	s5 =	sshll.u32 s27, $0x1;
	_ =	strace $0x80000049;
	[dreg:$0x1] =	wrdreg $0xFFFFFFFF  }
0x1f: {  	s28 =	simm.s32 $_size_execute0_lowered;
	s3 =	sadd.s32 s3, s5;
	[dreg:$0x0] =	wrdreg $0x0  }
0x20: {  	s5 =	sshll.u32 s28, $0x1;
	[dreg:$0x2] =	wrdreg s3  }
0x21: {  	[dreg:$0x3] =	wrdreg s5  }
0x22: {  	[dreg:$0x4] =	wrdreg $0xC0  }
0x23: {  	_ =	task [dreg:s7], $0x5FFFF  }
0x24: {  	[dreg:$0x1] =	wrdreg $0xFFFFFFFF  }
0x25: {  	[dreg:$0x0] =	wrdreg $0x60  }
0x26: {  	[dreg:$0x2] =	wrdreg s25  }
0x27: {  	[dreg:$0x3] =	wrdreg s2  }
0x28: {  	[dreg:$0x4] =	wrdreg $0x9  }
0x29: {  	_ =	task.clear_ibuf [dreg:s7], $0x5FFFF;
	_ =	strace $0x90000049  }
0x2a: {  	s29 =	simm.s32 $0x9;
	_ =	strace $0x8000004B  }
0x2b: {  	_ =	swait.ge [sflag:s29], $0x1  }
0x2c: {  	[sflag:s29] =	ssyncadd.s32 $0xFFFFFFFF  }
0x2d: {  	_ =	strace $0x9000004B  }
0x2e: {  	_ =	sfence  }
0x2f: {  	s30 =	sld [smem:$0x0];
	_ =	sdelay $0x2  }
0x30: {  	s31 =	sshll.u32 s1, $0xD;
	s1 =	sshrl.u32 s1, $0x2  }
0x31: {  	s3 =	sand.u32 $0x4000, s31;
	s1 =	sadd.s32 s1, s30  }
0x32: {  	s0 =	sor.u32 s3, s0;
	s1 =	sshll.u32 s1, $0x11  }
0x33: {  	s0 =	sor.u32 s1, s0  }
0x34: {  	s0 =	sadd.s32 $0x8F2B, s0  }
0x35: {  	[sflag:s0] =	ssyncadd.remote.s32 $0x1  }
0x36: {  	_ =	sfence.sel $0xFFFF  }
0x37: {  	[dreg:$0x0] =	wrdreg $0xFFFFFFFF;
	(pc) =	sbr.abs _section_cstart, $3  }
0x38: {  	[dreg:$0x1] =	wrdreg $0xFFFFFFFF  }
0x39: {  	_ =	task.clear_ibuf [dreg:s7], $0x2FFFF;
	_ =	strace $0x9FFFFFFF  }
0x3a: {  	(tm) =	ssettm $0x7FFFFFFF  }
0x3b: {  	_ =	shalt  }
tec
execute0_lowered:
.L_overlay_start_1:
0x0: {  	(tag) =	ssettag $0x1  }
0x1: {  	s0 =	srdreg.scid  }
0x2: {  	s1 =	sshll.u32 s0, $0x4  }
0x3: {  	s0 =	stileid.u32;
	s1 =	sand.u32 $0x10, s1  }
0x4: {  	s1 =	sor.u32 s0, s1  }
0x5: {  	s6 =	rddreg [dreg:$0x0];
	s4 =	simm.s32 $0x1;
	s2 =	sshll.u32 s1, $0x7  }
0x6: {  	s7 =	simm.s32 $0x2;
	s12 =	simm.s32 $0x0;
	s1 =	ssub.s32 $0x1000, s2  }
0x7: {  	s8 =	simm.s32 $0x8000;
	s13 =	simm.s32 $0x0;
	s3 =	sand.u32 $0xF80, s1  }
0x8: {  	s9 =	simm.s32 $0x0;
	s5 =	sshrl.u32 s1, $0xC;
	p0 =	sne.s32 s3, $0x0  }
.Ltmp0:
0x9: {  	s1 =	rddreg [dreg:$0x2];
	s4 =	simm.s32 @!p0 $0x0;
	(pc) =	sbr.rel .LBB1_1-.Ltmp0, $4  }
0xa: {  	s11 =	simm.s32 $0x0;
	s3 =	rddreg [dreg:$0x1];
	s5 =	sadd.s32 s4, s5  }
0xb: {  	_ =	strace $0x8000004A;
	s4 =	simm.s32 $0x1;
	s5 =	smul.u32 $0xC8, s5  }
0xc: {  	s6 =	sadd.s32 $0x1000, s6;
	s10 =	smov.u32 s2;
	[sflag:s4] =	ssyncpa.u1 $0x0  }
0xd: {  	p0 =	por $0x0, $0x0;
	[sflag:s7] =	ssyncpa.u1 $0x0;
	s7 =	sor.u32 $0x1, s5  }
.LBB1_4:
0xe: {  	s16 =	sshll.u32 s13, $0x3;
	s17 =	sand.u32 $0x78, s13  }
0xf: {  	s30 =	sand.u32 $0x7E00, s13;
	s12 =	sshll.u32 s12, $0xF;
	s16 =	sand.u32 $0xC00, s16  }
0x10: {  	[tilespmem:s15+$0x810 ss:$0x81] =	vst.msk $0xffff, v2;
	s31 =	sand.u32 $0x7, s13;
	s16 =	sor.u32 s17, s16;
	s17 =	sadd.s32 s3, s30  }
0x11: {  	[tilespmem:s15+$0x1020 ss:$0x81] =	vst.msk $0xffff, v0;
	s13 =	sshll.u32 s31, $0x12;
	s12 =	sadd.s32 s12, s17;
	s16 =	sshrl.u32 s16, $0x3  }
0x12: {  	[tilespmem:s15+$0x0 ss:$0x81] =	vst.msk $0xffff, v1;
	s13 =	sor.u32 $0x400, s13;
	s12 =	sadd.s32 s16, s12  }
0x13: {  	[hbm4b:s12+s13] =	stream.strided.scatter [tilespmem:s14], [sflag:$0x2], $0x2000, s8, s13, $0x20;
	[tilespmem:$0x8080] =	vst v63  }
.LBB1_5:
0x14: {  	s14 =	sadd.s32 $0x1, s9  }
0x15: {  	s12 =	sadd.s32 $0x1000, s10;
	s16 =	smov.u32 s10;
	p2 =	sgt.s32 s14, $0xC7  }
0x16: {  	s16 =	smov.u32 @p2 s12  }
0x17: {  	s14 =	simm.s32 @p2 $0x0;
	p2 =	sgt.s32 s16, $0xFFF  }
0x18: {  	s16 =	smov.u32 @p2 s2;
	p2 =	sne.s32 s11, s7  }
.Ltmp1:
0x19: {  	p1 =	slt.u32 s11, $0x2;
	(pc) =	sbr.rel @!p2 .LBB1_6-.Ltmp1, $4  }
0x1a: {  	s15 =	simm.s32 @!p1 $0x2  }
0x1b: {  	s13 =	smov.u32 s10;
	p0 =	por !p0, !p0;
	_ =	swait.ge @!p1 [sflag:s15], $0x2000  }
0x1c: {  	s12 =	smov.u32 s9;
	[sflag:s15] =	ssyncset.done @!p1 $0x0;
	s9 =	smov.u32 s14  }
0x1d: {  	s11 =	sadd.s32 $0x1, s11;
	[sflag:s15] =	ssyncadd.s32 @!p1 $0xFFFFE000;
	s10 =	smov.u32 s16  }
.LBB1_1:
0x1e: {  	p1 =	sge.u32 s11, s5  }
0x1f: {  	s14 =	sand.u32 @!p1 $0x1FFFFFF, s9  }
0x20: {  	s15 =	smulhi.u32 @!p1 $0x147AE15, s14;
	_ =	sdelay $0x1  }
0x21: {  	s15 =	smul.u32 @!p1 $0xC8, s15  }
0x22: {  	s16 =	sxor.u32 @!p1 $0xFFFFFFFF, s11;
	s17 =	smul.u32 @!p1 $0xC80, s10  }
0x23: {  	s31 =	sadd.s32 $0xFFFFFFFF, s11;
	s16 =	sshll.u32 @!p1 s16, $0xD;
	s14 =	ssub.s32 @!p1 s14, s15  }
0x24: {  	s15 =	sand.u32 @!p1 $0x2000, s16;
	s16 =	sadd.s32 @!p1 s6, s17;
	s14 =	sshll.u32 @!p1 s14, $0x4  }
0x25: {  	s17 =	simm.s32 @!p1 $0x6400;
	s14 =	sadd.s32 @!p1 s14, s16;
	s16 =	simm.s32 @!p1 $0x40  }
0x26: {  	[tilespmem:s15], [sflag:$0x1] =	stream.strided.gather @!p1 [hbm4b:s14+s16], $0x2000, s17, s16, $0x38;
	[tilespmem:$0x8080] =	vst v63  }
0x27: {  	p1 =	sge.u32 s31, s5  }
.Ltmp2:
0x28: {  	_ = 	snop;
	(pc) =	sbr.rel @p1 .LBB1_5-.Ltmp2, $1  }
0x29: {  	_ =	sdelay $0x3  }
0x2a: {  	s14 =	simm.s32 $0x1  }
0x2b: {  	_ =	swait.ge [sflag:s4], $0x2000;
	s14 =	simm.s32 @!p0 $0x0  }
0x2c: {  	[sflag:s4] =	ssyncset.done $0x0;
	s15 =	sshll.u32 s14, $0xD  }
0x2d: {  	[sflag:s4] =	ssyncadd.s32 $0xFFFFE000;
	s18 =	sor.u32 $0x20, s15  }
0x2e: {  	s14 =	smul.u32 $0x8100, s14;
	v3 =	vld [tilespmem:s18+$0x10]  }
0x2f: {  	s30 =	sand.u32 $0x1, s11;
	v2 =	vld [tilespmem:s18+$0xFFFFFFF0]  }
0x30: {  	s15 =	smul.u32 $0x8100, s30;
	s14 =	sshrl.u32 s14, $0x2;
	v0 =	vld [tilespmem:s18+$0x0]  }
0x31: {  	v1 =	vld [tilespmem:s18+$0xFFFFFFE0];
	s16 =	sor.u32 $0x4000, s14  }
0x32: {  	s31 =	sshrl.u32 s15, $0x2;
	s15 =	sadd.s32 $0x0, s16  }
0x33: {  	s17 =	simm.s32 $0x4;
	s18 =	sadd.s32 $0x40, s18;
	s14 =	sor.u32 $0x4000, s31;
	[tilespmem:s15+$0x1830 ss:$0x81] =	vst.msk $0xffff, v3  }
.LBB1_3:
0x34: {  	v3 =	vld [tilespmem:s18+$0x10];
	p1 =	sne.s32 s17, $0x1FC;
	[tilespmem:s15+$0x810 ss:$0x81] =	vst.msk $0xffff, v2;
	s19 =	smov.u32 s17;
	s17 =	sadd.s32 $0x4, s17  }
.Ltmp3:
0x35: {  	v2 =	vld [tilespmem:s18+$0xFFFFFFF0];
	[tilespmem:s15+$0x1020 ss:$0x81] =	vst.msk $0xffff, v0;
	(pc) =	sbr.rel @p1 .LBB1_3-.Ltmp3, $4  }
0x36: {  	v0 =	vld [tilespmem:s18+$0x0];
	[tilespmem:s15+$0x0 ss:$0x81] =	vst.msk $0xffff, v1  }
0x37: {  	s15 =	sshra.s32 s19, $0x2;
	v1 =	vld [tilespmem:s18+$0xFFFFFFE0]  }
0x38: {  	s15 =	sadd.s32 s15, s16  }
0x39: {  	s18 =	sadd.s32 $0x40, s18;
	[tilespmem:s15+$0x1830 ss:$0x81] =	vst.msk $0xffff, v3  }
.Ltmp4:
0x3a: {  	_ = 	snop;
	(pc) =	sbr.rel .LBB1_4-.Ltmp4, $1  }
0x3b: {  	_ =	sdelay $0x3  }
.LBB1_6:
0x3c: {  	_ =	sfence.sel $0x180000  }
0x3d: {  	s2 =	simm.s32 $0x1;
	[bflag:$0x0] =	sbarrier.arrive $0xFFFF  }
0x3e: {  	s31 =	simm.s32 $0x2;
	[sflag:s2] =	ssyncpa.u1 $0x1  }
0x3f: {  	[sflag:s31] =	ssyncpa.u1 $0x1  }
0x40: {  	p0 =	sne.s32 s0, $0x0;
	_ =	strace $0x9000004A  }
0x41: {  	s0 =	sadd.s32 @!p0 $0x100000, s1;
	[bflag:$0x2] =	sbarrier.arrive $0xFFFF  }
0x42: {  	[sflag:s0] =	ssyncadd.tile.s32 @!p0 $0x1;
	_ =	shalt  }
.Lfunc_end1:
_tile_overlayer_lowered:
.L_overlay_start_2:
0x43: {  	(tag) =	ssettag $0x2  }
0x44: {  	s0 =	rddreg [dreg:$0x0];
	s2 =	stileid.u32  }
0x45: {  	s1 =	rddreg [dreg:$0x1];
	p0 =	sne.s32 s2, $0x0  }
0x46: {  	s3 =	rddreg [dreg:$0x2];
	[bflag:$0x3] =	sbarrier.arrive $0xFFFF;
	s2 =	simm.s32 @!p0 $0x1C01  }
0x47: {  	[timem:s3], [sflag:s2] =	dma.local @!p0 [hbm:s0], s1  }
0x48: {  	s0 =	simm.s32 @!p0 $0x1  }
0x49: {  	_ =	swait.ge @!p0 [sflag:s0], s1  }
0x4a: {  	s1 =	ssub.s32 @!p0 $0x0, s1;
	[sflag:s0] =	ssyncset.done @!p0 $0x0  }
0x4b: {  	[sflag:s0] =	ssyncadd.s32 @!p0 s1  }
0x4c: {  	[bflag:$0x3] =	sbarrier.arrive $0xFFFF  }
0x4d: {  	_ =	shalt  }

</sc_bundles>
